<compile_context>
chip_gen: v7x
topology: tpu7x:2x2x1
jax: 0.10.2.dev20260603
libtpu: 0.0.44.dev20260713+nightly
codegen_flags: <defaults>
</compile_context>

<pallas_src>
import functools

import jax
import jax.numpy as jnp
from jax import lax
from jax.experimental import pallas as pl
from jax.experimental.pallas import tpu as pltpu
from jax.experimental.pallas import tpu_sc as plsc

VOCAB = 1000000
DIM = 300
BATCH = 16384
MAX_NORM = 1.0

_NC = 2
_NS = 16
_NW = _NC * _NS
_BPW = BATCH // _NW
_L = 16
_DPAD = 384
_NG = (DIM + _L - 1) // _L
_RSTAGE = 16
_VB = 128
_VBMAX = VOCAB - _VB
_BSTRIDE = 304


def _sc_gather2(ci_sorted, ci_pos, xi_sorted, xi_pos, Wc_t, Wx_t):
    mesh = plsc.VectorSubcoreMesh(core_axis_name="c", subcore_axis_name="s")

    @functools.partial(
        pl.kernel,
        out_type=(
            jax.ShapeDtypeStruct((BATCH, _DPAD), jnp.float32),
            jax.ShapeDtypeStruct((BATCH, _DPAD), jnp.float32),
        ),
        mesh=mesh,
        compiler_params=pltpu.CompilerParams(
            use_tc_tiling_on_sc=True, needs_layout_passes=False),
        scratch_types=[
            pltpu.VMEM((_BPW + _VB + _L,), jnp.int32),
            pltpu.VMEM((_BPW,), jnp.int32),
            pltpu.VMEM((_BPW + _L,), jnp.int32),
            pltpu.VMEM((3 * _BSTRIDE, _VB), jnp.float32),
            pltpu.VMEM((_RSTAGE, _DPAD), jnp.float32),
            pltpu.VMEM((_BPW // _RSTAGE, _L), jnp.int32),
            pltpu.SemaphoreType.DMA,
            pltpu.SemaphoreType.DMA,
        ],
    )
    def k(ci_hbm, cp_hbm, xi_hbm, xp_hbm, wc_hbm, wx_hbm, outc_hbm, outx_hbm,
          idx_v, pos_v, dlist_v, blk_v, rows_v, spos_v, sem, osem):
        wid = lax.axis_index("s") * _NC + lax.axis_index("c")

        lanes = lax.iota(jnp.int32, _L)

        def blocks_of(vec):
            return jnp.minimum((vec // _VB) * _VB, _VBMAX)

        def gather_one(idx_hbm, pos_hbm, wt_hbm, out_hbm):
            pltpu.sync_copy(idx_hbm.at[wid], idx_v.at[pl.ds(_VB, _BPW)])
            pltpu.sync_copy(pos_hbm.at[wid], pos_v)

            def scan_body(kc, nd):
                a = blocks_of(idx_v[pl.ds(_VB + kc * _L, _L)])
                b = blocks_of(idx_v[pl.ds(_VB - 1 + kc * _L, _L)])
                flags = (a != b) | ((lanes + kc) == 0)
                plsc.store_compressed(dlist_v.at[pl.ds(nd, _L)], a, mask=flags)
                return nd + plsc.all_reduce_population_count(flags)[0]

            nd = lax.fori_loop(0, _BPW // _L, scan_body, jnp.int32(0))

            def issue_fetch(b):
                vb = pl.multiple_of(dlist_v[pl.ds(b, _L)][0], _VB)
                off = pl.multiple_of((b % 3) * _BSTRIDE, 8)
                pltpu.async_copy(
                    wt_hbm.at[:, pl.ds(vb, _VB)],
                    blk_v.at[pl.ds(off, DIM)], sem)

            def wait_fetch():
                pltpu.make_async_copy(
                    wt_hbm.at[:, pl.ds(0, _VB)],
                    blk_v.at[pl.ds(0, DIM)], sem).wait()

            issue_fetch(jnp.int32(0))

            @pl.when(nd > 1)
            def _():
                issue_fetch(jnp.int32(1))

            def body(j, carry):
                vb_cur, ordi = carry
                v = idx_v[pl.ds(_VB + j, _L)][0]
                vb = jnp.minimum((v // _VB) * _VB, _VBMAX)
                trans = vb != vb_cur
                ordn = jnp.where(trans, ordi + 1, ordi)

                @pl.when(trans)
                def _():
                    @pl.when(ordn + 2 < nd)
                    def _():
                        issue_fetch(ordn + 2)

                    wait_fetch()

                off = (ordn % 3) * _BSTRIDE
                lane_idx = jnp.full((_L,), v - vb, jnp.int32)
                r = j % _RSTAGE
                for g in range(_NG):
                    row_idx = jnp.minimum(lanes + (g * _L), DIM - 1) + off
                    rows_v[r, pl.ds(g * _L, _L)] = plsc.load_gather(
                        blk_v, [row_idx, lane_idx])

                @pl.when(r == _RSTAGE - 1)
                def _():
                    f = j // _RSTAGE
                    j0 = pl.multiple_of(j - (_RSTAGE - 1), _RSTAGE)
                    spos_v[f, :] = pos_v[pl.ds(j0, _L)]
                    pltpu.async_copy(
                        rows_v, out_hbm.at[spos_v.at[f]], osem).wait()

                return vb, ordn

            lax.fori_loop(0, _BPW, body, (jnp.int32(-1), jnp.int32(-1)))

        gather_one(ci_hbm, cp_hbm, wc_hbm, outc_hbm)
        gather_one(xi_hbm, xp_hbm, wx_hbm, outx_hbm)

    return k(ci_sorted.reshape(_NW, _BPW), ci_pos.reshape(_NW, _BPW),
             xi_sorted.reshape(_NW, _BPW), xi_pos.reshape(_NW, _BPW),
             Wc_t, Wx_t)


_FBLK = 2048


def _tc_finish_body(c_ref, x_ref, out_ref):
    d = lax.broadcasted_iota(jnp.int32, (1, _DPAD), 1)
    mask = (d < DIM).astype(jnp.float32)
    c = c_ref[...] * mask
    x = x_ref[...] * mask
    dot = jnp.sum(c * x, axis=1)
    c2 = jnp.sum(c * c, axis=1)
    x2 = jnp.sum(x * x, axis=1)
    scale_c = jnp.minimum(1.0, MAX_NORM / jnp.maximum(jnp.sqrt(c2), 1e-7))
    scale_x = jnp.minimum(1.0, MAX_NORM / jnp.maximum(jnp.sqrt(x2), 1e-7))
    s = dot * scale_c * scale_x
    loss = jax.nn.log_sigmoid(s)
    part = jnp.full((1, 1), -jnp.sum(loss) / BATCH, jnp.float32)

    @pl.when(pl.program_id(0) == 0)
    def _():
        out_ref[...] = jnp.zeros((1, 1), jnp.float32)

    out_ref[...] += part


def kernel(center_input, context_input, W_center, W_context):
    ci = center_input.astype(jnp.int32)
    xi = context_input.astype(jnp.int32)
    iota = lax.iota(jnp.int32, BATCH)
    ci_s, ci_pos = lax.sort((ci, iota), num_keys=1)
    xi_s, xi_pos = lax.sort((xi, iota), num_keys=1)
    rows_c, rows_x = _sc_gather2(
        ci_s, ci_pos, xi_s, xi_pos, W_center.T, W_context.T)
    res = pl.pallas_call(
        _tc_finish_body,
        grid=(BATCH // _FBLK,),
        in_specs=[
            pl.BlockSpec((_FBLK, _DPAD), lambda i: (i, 0)),
            pl.BlockSpec((_FBLK, _DPAD), lambda i: (i, 0)),
        ],
        out_specs=pl.BlockSpec((1, 1), lambda i: (0, 0)),
        out_shape=jax.ShapeDtypeStruct((1, 1), jnp.float32),
    )(rows_c, rows_x)
    return res[0, 0]

# --- scband reference (transcript-rebuilt; emitter-appended) ---
"""Pipeline reference for scband-skipgram-29772713296191 (READ-ONLY COPY).

The authoritative reference and input builder live on the scoring server;
editing this copy changes nothing except your own understanding.
"""

import jax, jax.numpy as jnp
import numpy as np

VOCAB = 1000000
DIM = 300
BATCH = 16384
MAX_NORM = 1.0


def _renorm_rows(rows, max_norm):
    # Emulates torch nn.Embedding(max_norm=...): rows with norm > max_norm are
    # rescaled to have norm == max_norm. The renorm in torch is an in-place
    # weight mutation (not differentiated), so the scale is stop-gradiented.
    norms = jnp.linalg.norm(rows, axis=-1, keepdims=True)
    scale = jnp.minimum(jnp.ones_like(norms), max_norm / jnp.maximum(norms, 1e-7))
    scale = jax.lax.stop_gradient(scale)
    return rows * scale


def setup_inputs(seed: int = 0) -> dict:
    key = jax.random.key(seed)
    k1, k2, k3, k4 = jax.random.split(key, 4)
    center_input = jax.random.randint(k1, (BATCH,), 0, VOCAB, dtype=jnp.int64 if jax.config.jax_enable_x64 else jnp.int32)
    context_input = jax.random.randint(k2, (BATCH,), 0, VOCAB, dtype=jnp.int64 if jax.config.jax_enable_x64 else jnp.int32)
    W_center = jax.random.normal(k3, (VOCAB, DIM), dtype=jnp.float32)
    W_context = jax.random.normal(k4, (VOCAB, DIM), dtype=jnp.float32)
    return {
        "center_input": center_input,
        "context_input": context_input,
        "W_center": W_center,
        "W_context": W_context,
    }


def reference(center_input, context_input, W_center, W_context):
    # embedding lookups (gather) with max_norm renormalization
    x_center = _renorm_rows(jnp.take(W_center, center_input, axis=0), MAX_NORM)
    x_context = _renorm_rows(jnp.take(W_context, context_input, axis=0), MAX_NORM)
    product = x_center * x_context
    add = jnp.sum(product, axis=1)
    loss = jax.nn.log_sigmoid(add)
    return -jnp.mean(loss)

if __name__ == "__main__":
    import jax
    _d = setup_inputs()
    print(jax.jit(kernel)(*tuple(_d.values())))

</pallas_src>

<mosaic_0001>
#map = affine_map<(d0, d1) -> (0, 0)>
module attributes {stable_mosaic.version = 14 : i64} {
  func.func @k(%arg0: i32, %arg1: i32, %arg2: memref<32x512xi32, #tpu.memory_space<hbm>>, %arg3: memref<32x512xi32, #tpu.memory_space<hbm>>, %arg4: memref<32x512xi32, #tpu.memory_space<hbm>>, %arg5: memref<32x512xi32, #tpu.memory_space<hbm>>, %arg6: memref<300x1000000xf32, #tpu.memory_space<hbm>>, %arg7: memref<300x1000000xf32, #tpu.memory_space<hbm>>, %arg8: memref<16384x384xf32, #tpu.memory_space<hbm>>, %arg9: memref<16384x384xf32, #tpu.memory_space<hbm>>, %arg10: memref<656xi32, #tpu.memory_space<vmem>>, %arg11: memref<512xi32, #tpu.memory_space<vmem>>, %arg12: memref<528xi32, #tpu.memory_space<vmem>>, %arg13: memref<912x128xf32, #tpu.memory_space<vmem>>, %arg14: memref<16x384xf32, #tpu.memory_space<vmem>>, %arg15: memref<32x16xi32, #tpu.memory_space<vmem>>, %arg16: memref<!tpu.dma_semaphore, #tpu.memory_space<semaphore_mem>>, %arg17: memref<!tpu.dma_semaphore, #tpu.memory_space<semaphore_mem>>) attributes {dimension_semantics = [#tpu.dimension_semantics<core_parallel>, #tpu.dimension_semantics<subcore_parallel>], iteration_bounds = array<i64: 2, 16>, scalar_prefetch = 0 : i64, scratch_operands = 8 : i64, tpu.core_type = #tpu.core_type<sc_vector_subcore>, window_params = [{transform_indices = #map}, {transform_indices = #map}, {transform_indices = #map}, {transform_indices = #map}, {transform_indices = #map}, {transform_indices = #map}, {transform_indices = #map}, {transform_indices = #map}]} {
    %mul3A = arith.constant 2 : i32
    %mul3A_0 = arith.muli %arg1, %mul3A : i32
    %add3A = arith.addi %mul3A_0, %arg0 : i32
    %iota3A = tpu.iota {dimensions = array<i32: 0>} : vector<16xi32>
    "tpu.region"() ({
      %run_scoped3A = tpu.sem_alloc : memref<!tpu.dma_semaphore, #tpu.memory_space<semaphore_mem>>
      %dma_start3A_93 = arith.constant 128 : i32
      %dma_start3A_94 = tpu.memref_slice %arg10[%dma_start3A_93] : memref<656xi32, #tpu.memory_space<vmem>> -> memref<512xi32, #tpu.memory_space<vmem>>
      %dma_start3A_95 = arith.constant 0 : i32
      %dma_start3A_96 = tpu.memref_slice %arg2[%add3A, %dma_start3A_95] : memref<32x512xi32, #tpu.memory_space<hbm>> -> memref<1x512xi32, #tpu.memory_space<hbm>>
      %dma_start3A_97 = tpu.memref_squeeze %dma_start3A_96 : memref<1x512xi32, #tpu.memory_space<hbm>> -> memref<512xi32, #tpu.memory_space<hbm>>
      %dma_start3A_98 = arith.constant 128 : i32
      %dma_start3A_99 = tpu.memref_slice %arg10[%dma_start3A_98] : memref<656xi32, #tpu.memory_space<vmem>> -> memref<512xi32, #tpu.memory_space<vmem>>
      %dma_start3A_100 = arith.constant 0 : i32
      %dma_start3A_101 = tpu.memref_slice %arg2[%add3A, %dma_start3A_100] : memref<32x512xi32, #tpu.memory_space<hbm>> -> memref<1x512xi32, #tpu.memory_space<hbm>>
      %dma_start3A_102 = tpu.memref_squeeze %dma_start3A_101 : memref<1x512xi32, #tpu.memory_space<hbm>> -> memref<512xi32, #tpu.memory_space<hbm>>
      tpu.enqueue_dma source(%dma_start3A_102 : memref<512xi32, #tpu.memory_space<hbm>>) target(%dma_start3A_99 : memref<512xi32, #tpu.memory_space<vmem>>) target_semaphore(%run_scoped3A : memref<!tpu.dma_semaphore, #tpu.memory_space<semaphore_mem>>)
      %dma_wait3A = arith.constant 128 : i32
      %dma_wait3A_103 = tpu.memref_slice %arg10[%dma_wait3A] : memref<656xi32, #tpu.memory_space<vmem>> -> memref<512xi32, #tpu.memory_space<vmem>>
      %dma_wait3A_104 = arith.constant 0 : i32
      %dma_wait3A_105 = tpu.memref_slice %arg2[%add3A, %dma_wait3A_104] : memref<32x512xi32, #tpu.memory_space<hbm>> -> memref<1x512xi32, #tpu.memory_space<hbm>>
      %dma_wait3A_106 = tpu.memref_squeeze %dma_wait3A_105 : memref<1x512xi32, #tpu.memory_space<hbm>> -> memref<512xi32, #tpu.memory_space<hbm>>
      %dma_wait3A_107 = arith.constant 128 : i32
      %dma_wait3A_108 = tpu.memref_slice %arg10[%dma_wait3A_107] : memref<656xi32, #tpu.memory_space<vmem>> -> memref<512xi32, #tpu.memory_space<vmem>>
      %dma_wait3A_109 = arith.constant 0 : i32
      %dma_wait3A_110 = tpu.memref_slice %arg2[%add3A, %dma_wait3A_109] : memref<32x512xi32, #tpu.memory_space<hbm>> -> memref<1x512xi32, #tpu.memory_space<hbm>>
      %dma_wait3A_111 = tpu.memref_squeeze %dma_wait3A_110 : memref<1x512xi32, #tpu.memory_space<hbm>> -> memref<512xi32, #tpu.memory_space<hbm>>
      tpu.wait_dma2 semaphore(%run_scoped3A : memref<!tpu.dma_semaphore, #tpu.memory_space<semaphore_mem>>) src(%dma_wait3A_111 : memref<512xi32, #tpu.memory_space<hbm>>) dst(%dma_wait3A_108 : memref<512xi32, #tpu.memory_space<vmem>>)
      tpu.yield
    }) : () -> ()
    "tpu.region"() ({
      %run_scoped3A = tpu.sem_alloc : memref<!tpu.dma_semaphore, #tpu.memory_space<semaphore_mem>>
      %dma_start3A_93 = arith.constant 0 : i32
      %dma_start3A_94 = tpu.memref_slice %arg3[%add3A, %dma_start3A_93] : memref<32x512xi32, #tpu.memory_space<hbm>> -> memref<1x512xi32, #tpu.memory_space<hbm>>
      %dma_start3A_95 = tpu.memref_squeeze %dma_start3A_94 : memref<1x512xi32, #tpu.memory_space<hbm>> -> memref<512xi32, #tpu.memory_space<hbm>>
      %dma_start3A_96 = arith.constant 0 : i32
      %dma_start3A_97 = tpu.memref_slice %arg3[%add3A, %dma_start3A_96] : memref<32x512xi32, #tpu.memory_space<hbm>> -> memref<1x512xi32, #tpu.memory_space<hbm>>
      %dma_start3A_98 = tpu.memref_squeeze %dma_start3A_97 : memref<1x512xi32, #tpu.memory_space<hbm>> -> memref<512xi32, #tpu.memory_space<hbm>>
      tpu.enqueue_dma source(%dma_start3A_98 : memref<512xi32, #tpu.memory_space<hbm>>) target(%arg11 : memref<512xi32, #tpu.memory_space<vmem>>) target_semaphore(%run_scoped3A : memref<!tpu.dma_semaphore, #tpu.memory_space<semaphore_mem>>)
      %dma_wait3A = arith.constant 0 : i32
      %dma_wait3A_99 = tpu.memref_slice %arg3[%add3A, %dma_wait3A] : memref<32x512xi32, #tpu.memory_space<hbm>> -> memref<1x512xi32, #tpu.memory_space<hbm>>
      %dma_wait3A_100 = tpu.memref_squeeze %dma_wait3A_99 : memref<1x512xi32, #tpu.memory_space<hbm>> -> memref<512xi32, #tpu.memory_space<hbm>>
      %dma_wait3A_101 = arith.constant 0 : i32
      %dma_wait3A_102 = tpu.memref_slice %arg3[%add3A, %dma_wait3A_101] : memref<32x512xi32, #tpu.memory_space<hbm>> -> memref<1x512xi32, #tpu.memory_space<hbm>>
      %dma_wait3A_103 = tpu.memref_squeeze %dma_wait3A_102 : memref<1x512xi32, #tpu.memory_space<hbm>> -> memref<512xi32, #tpu.memory_space<hbm>>
      tpu.wait_dma2 semaphore(%run_scoped3A : memref<!tpu.dma_semaphore, #tpu.memory_space<semaphore_mem>>) src(%dma_wait3A_103 : memref<512xi32, #tpu.memory_space<hbm>>) dst(%arg11 : memref<512xi32, #tpu.memory_space<vmem>>)
      tpu.yield
    }) : () -> ()
    %scan3A = arith.constant 0 : i32
    %scan3A_1 = arith.constant 0 : i32
    %scan3A_2 = arith.constant 32 : i32
    %scan3A_3 = arith.addi %scan3A_1, %scan3A_2 : i32
    %scan3A_4 = arith.constant 1 : i32
    %scan3A_5 = scf.for %scan3A_93 = %scan3A_1 to %scan3A_3 step %scan3A_4 iter_args(%scan3A_94 = %scan3A) -> (i32)  : i32 {
      %mul3A_95 = arith.constant 16 : i32
      %mul3A_96 = arith.muli %scan3A_93, %mul3A_95 : i32
      %add3A_97 = arith.constant 128 : i32
      %add3A_98 = arith.addi %add3A_97, %mul3A_96 : i32
      %get3A_99 = arith.index_cast %add3A_98 : i32 to index
      %get3A_100 = tpu.vector_load %arg10[%get3A_99] {strides = array<i32>} : memref<656xi32, #tpu.memory_space<vmem>>, vector<16xi32>,
      %jit3A_101 = arith.constant 128 : i32
      %div3A = vector.broadcast %jit3A_101 : i32 to vector<16xi32>
      %div3A_102 = arith.divsi %get3A_100, %div3A : vector<16xi32>
      %sign3A = arith.constant 0 : i32
      %sign3A_103 = vector.broadcast %sign3A : i32 to vector<16xi32>
      %sign3A_104 = arith.cmpi sgt, %get3A_100, %sign3A_103 : vector<16xi32>
      %sign3A_105 = arith.extui %sign3A_104 : vector<16xi1> to vector<16xi32>
      %sign3A_106 = arith.constant 0 : i32
      %sign3A_107 = vector.broadcast %sign3A_106 : i32 to vector<16xi32>
      %sign3A_108 = arith.cmpi slt, %get3A_100, %sign3A_107 : vector<16xi32>
      %sign3A_109 = arith.extui %sign3A_108 : vector<16xi1> to vector<16xi32>
      %sign3A_110 = arith.subi %sign3A_105, %sign3A_109 : vector<16xi32>
      %sign3A_111 = arith.constant 0 : i32
      %sign3A_112 = arith.cmpi sgt, %jit3A_101, %sign3A_111 : i32
      %sign3A_113 = arith.extui %sign3A_112 : i1 to i32
      %sign3A_114 = arith.constant 0 : i32
      %sign3A_115 = arith.cmpi slt, %jit3A_101, %sign3A_114 : i32
      %sign3A_116 = arith.extui %sign3A_115 : i1 to i32
      %sign3A_117 = arith.subi %sign3A_113, %sign3A_116 : i32
      %ne3A_118 = vector.broadcast %sign3A_117 : i32 to vector<16xi32>
      %ne3A_119 = arith.cmpi ne, %sign3A_110, %ne3A_118 : vector<16xi32>
      %rem3A_120 = vector.broadcast %jit3A_101 : i32 to vector<16xi32>
      %rem3A_121 = arith.remsi %get3A_100, %rem3A_120 : vector<16xi32>
      %ne3A_122 = arith.constant 0 : i32
      %ne3A_123 = vector.broadcast %ne3A_122 : i32 to vector<16xi32>
      %ne3A_124 = arith.cmpi ne, %rem3A_121, %ne3A_123 : vector<16xi32>
      %and3A_125 = arith.andi %ne3A_119, %ne3A_124 : vector<16xi1>
      %sub3A = arith.constant 1 : i32
      %sub3A_126 = vector.broadcast %sub3A : i32 to vector<16xi32>
      %sub3A_127 = arith.subi %div3A_102, %sub3A_126 : vector<16xi32>
      %select_n3A_128 = arith.select %and3A_125, %sub3A_127, %div3A_102 : vector<16xi1>, vector<16xi32>
      %mul3A_129 = arith.constant 128 : i32
      %mul3A_130 = vector.broadcast %mul3A_129 : i32 to vector<16xi32>
      %mul3A_131 = arith.muli %select_n3A_128, %mul3A_130 : vector<16xi32>
      %min3A = arith.constant 999872 : i32
      %min3A_132 = vector.broadcast %min3A : i32 to vector<16xi32>
      %min3A_133 = arith.minsi %mul3A_131, %min3A_132 : vector<16xi32>
      %mul3A_134 = arith.constant 16 : i32
      %mul3A_135 = arith.muli %scan3A_93, %mul3A_134 : i32
      %add3A_136 = arith.constant 127 : i32
      %add3A_137 = arith.addi %add3A_136, %mul3A_135 : i32
      %get3A_138 = arith.index_cast %add3A_137 : i32 to index
      %get3A_139 = tpu.vector_load %arg10[%get3A_138] {strides = array<i32>} : memref<656xi32, #tpu.memory_space<vmem>>, vector<16xi32>,
      %jit3A_140 = arith.constant 128 : i32
      %div3A_141 = vector.broadcast %jit3A_140 : i32 to vector<16xi32>
      %div3A_142 = arith.divsi %get3A_139, %div3A_141 : vector<16xi32>
      %sign3A_143 = arith.constant 0 : i32
      %sign3A_144 = vector.broadcast %sign3A_143 : i32 to vector<16xi32>
      %sign3A_145 = arith.cmpi sgt, %get3A_139, %sign3A_144 : vector<16xi32>
      %sign3A_146 = arith.extui %sign3A_145 : vector<16xi1> to vector<16xi32>
      %sign3A_147 = arith.constant 0 : i32
      %sign3A_148 = vector.broadcast %sign3A_147 : i32 to vector<16xi32>
      %sign3A_149 = arith.cmpi slt, %get3A_139, %sign3A_148 : vector<16xi32>
      %sign3A_150 = arith.extui %sign3A_149 : vector<16xi1> to vector<16xi32>
      %sign3A_151 = arith.subi %sign3A_146, %sign3A_150 : vector<16xi32>
      %sign3A_152 = arith.constant 0 : i32
      %sign3A_153 = arith.cmpi sgt, %jit3A_140, %sign3A_152 : i32
      %sign3A_154 = arith.extui %sign3A_153 : i1 to i32
      %sign3A_155 = arith.constant 0 : i32
      %sign3A_156 = arith.cmpi slt, %jit3A_140, %sign3A_155 : i32
      %sign3A_157 = arith.extui %sign3A_156 : i1 to i32
      %sign3A_158 = arith.subi %sign3A_154, %sign3A_157 : i32
      %ne3A_159 = vector.broadcast %sign3A_158 : i32 to vector<16xi32>
      %ne3A_160 = arith.cmpi ne, %sign3A_151, %ne3A_159 : vector<16xi32>
      %rem3A_161 = vector.broadcast %jit3A_140 : i32 to vector<16xi32>
      %rem3A_162 = arith.remsi %get3A_139, %rem3A_161 : vector<16xi32>
      %ne3A_163 = arith.constant 0 : i32
      %ne3A_164 = vector.broadcast %ne3A_163 : i32 to vector<16xi32>
      %ne3A_165 = arith.cmpi ne, %rem3A_162, %ne3A_164 : vector<16xi32>
      %and3A_166 = arith.andi %ne3A_160, %ne3A_165 : vector<16xi1>
      %sub3A_167 = arith.constant 1 : i32
      %sub3A_168 = vector.broadcast %sub3A_167 : i32 to vector<16xi32>
      %sub3A_169 = arith.subi %div3A_142, %sub3A_168 : vector<16xi32>
      %select_n3A_170 = arith.select %and3A_166, %sub3A_169, %div3A_142 : vector<16xi1>, vector<16xi32>
      %mul3A_171 = arith.constant 128 : i32
      %mul3A_172 = vector.broadcast %mul3A_171 : i32 to vector<16xi32>
      %mul3A_173 = arith.muli %select_n3A_170, %mul3A_172 : vector<16xi32>
      %min3A_174 = arith.constant 999872 : i32
      %min3A_175 = vector.broadcast %min3A_174 : i32 to vector<16xi32>
      %min3A_176 = arith.minsi %mul3A_173, %min3A_175 : vector<16xi32>
      %ne3A_177 = arith.cmpi ne, %min3A_133, %min3A_176 : vector<16xi32>
      %add3A_178 = vector.broadcast %scan3A_93 : i32 to vector<16xi32>
      %add3A_179 = arith.addi %iota3A, %add3A_178 : vector<16xi32>
      %eq3A_180 = arith.constant 0 : i32
      %eq3A_181 = vector.broadcast %eq3A_180 : i32 to vector<16xi32>
      %eq3A_182 = arith.cmpi eq, %add3A_179, %eq3A_181 : vector<16xi32>
      %or3A = arith.ori %ne3A_177, %eq3A_182 : vector<16xi1>
      %swap3A = arith.index_cast %scan3A_94 : i32 to index
      %swap3A_183 = tpu.vector_load %arg12[%swap3A] masked %or3A {strides = array<i32>} : memref<528xi32, #tpu.memory_space<vmem>>, vector<16xi32>, vector<16xi1>
      tpu.vector_store %arg12[%swap3A], %min3A_133 masked %or3A {strides = array<i32>} : memref<528xi32, #tpu.memory_space<vmem>>, vector<16xi32>, vector<16xi1>
      %all_reduce_population_count3A = tpu.all_reduce %or3A {dim = 0 : i64, kind = #tpu.reduction_kind<sum>} : vector<16xi1> -> vector<16xi32>
      %slice3A_184 = vector.extract_strided_slice %all_reduce_population_count3A {offsets = [0], sizes = [1], strides = [1]} : vector<16xi32> to vector<1xi32>
      %squeeze3A_185 = vector.extract %slice3A_184[0] : i32 from vector<1xi32>
      %add3A_186 = arith.addi %scan3A_94, %squeeze3A_185 : i32
      scf.yield %add3A_186 : i32
    }
    %scan3A_6 = arith.constant 32 : i32
    %get3A = arith.constant 0 : i32
    %get3A_7 = arith.index_cast %get3A : i32 to index
    %get3A_8 = tpu.vector_load %arg12[%get3A_7] {strides = array<i32>} : memref<528xi32, #tpu.memory_space<vmem>>, vector<16xi32>,
    %slice3A = vector.extract_strided_slice %get3A_8 {offsets = [0], sizes = [1], strides = [1]} : vector<16xi32> to vector<1xi32>
    %squeeze3A = vector.extract %slice3A[0] : i32 from vector<1xi32>
    %multiple_of3A = tpu.assume_multiple %squeeze3A, 128 : i32
    %jit3A = arith.constant 0 : i32
    %jit3A_9 = arith.constant 3 : i32
    %eq3A = arith.constant 0 : i32
    %eq3A_10 = arith.cmpi eq, %jit3A_9, %eq3A : i32
    %jit3A_11 = arith.constant 1 : i32
    %select_n3A = arith.select %eq3A_10, %jit3A_11, %jit3A_9 : i32
    %rem3A = arith.remsi %jit3A, %select_n3A : i32
    %ne3A = arith.constant 0 : i32
    %ne3A_12 = arith.cmpi ne, %rem3A, %ne3A : i32
    %lt3A = arith.constant 0 : i32
    %lt3A_13 = arith.cmpi slt, %rem3A, %lt3A : i32
    %lt3A_14 = arith.constant 0 : i32
    %lt3A_15 = arith.cmpi slt, %select_n3A, %lt3A_14 : i32
    %ne3A_16 = arith.xori %lt3A_13, %lt3A_15 : i1
    %and3A = arith.andi %ne3A_16, %ne3A_12 : i1
    %add3A_17 = arith.addi %rem3A, %select_n3A : i32
    %select_n3A_18 = arith.select %and3A, %add3A_17, %rem3A : i32
    %mul3A_19 = arith.constant 304 : i32
    %mul3A_20 = arith.muli %select_n3A_18, %mul3A_19 : i32
    %multiple_of3A_21 = tpu.assume_multiple %mul3A_20, 8 : i32
    %dma_start3A = arith.constant 0 : i32
    %dma_start3A_22 = tpu.memref_slice %arg13[%multiple_of3A_21, %dma_start3A] : memref<912x128xf32, #tpu.memory_space<vmem>> -> memref<300x128xf32, #tpu.memory_space<vmem>>
    %dma_start3A_23 = arith.constant 0 : i32
    %dma_start3A_24 = tpu.memref_slice %arg6[%dma_start3A_23, %multiple_of3A] : memref<300x1000000xf32, #tpu.memory_space<hbm>> -> memref<300x128xf32, #tpu.memory_space<hbm>>
    %dma_start3A_25 = arith.constant 0 : i32
    %dma_start3A_26 = tpu.memref_slice %arg13[%multiple_of3A_21, %dma_start3A_25] : memref<912x128xf32, #tpu.memory_space<vmem>> -> memref<300x128xf32, #tpu.memory_space<vmem>>
    %dma_start3A_27 = arith.constant 0 : i32
    %dma_start3A_28 = tpu.memref_slice %arg6[%dma_start3A_27, %multiple_of3A] : memref<300x1000000xf32, #tpu.memory_space<hbm>> -> memref<300x128xf32, #tpu.memory_space<hbm>>
    tpu.enqueue_dma source(%dma_start3A_28 : memref<300x128xf32, #tpu.memory_space<hbm>>) target(%dma_start3A_26 : memref<300x128xf32, #tpu.memory_space<vmem>>) target_semaphore(%arg16 : memref<!tpu.dma_semaphore, #tpu.memory_space<semaphore_mem>>)
    %gt3A = arith.constant 1 : i32
    %gt3A_29 = arith.cmpi sgt, %scan3A_5, %gt3A : i32
    %convert_element_type3A = arith.extui %gt3A_29 : i1 to i32
    %cond3A = arith.constant 0 : i32
    %cond3A_30 = arith.cmpi ne, %convert_element_type3A, %cond3A : i32
    scf.if %cond3A_30 {
      %get3A_93 = arith.constant 1 : i32
      %get3A_94 = arith.index_cast %get3A_93 : i32 to index
      %get3A_95 = tpu.vector_load %arg12[%get3A_94] {strides = array<i32>} : memref<528xi32, #tpu.memory_space<vmem>>, vector<16xi32>,
      %slice3A_96 = vector.extract_strided_slice %get3A_95 {offsets = [0], sizes = [1], strides = [1]} : vector<16xi32> to vector<1xi32>
      %squeeze3A_97 = vector.extract %slice3A_96[0] : i32 from vector<1xi32>
      %multiple_of3A_98 = tpu.assume_multiple %squeeze3A_97, 128 : i32
      %jit3A_99 = arith.constant 1 : i32
      %jit3A_100 = arith.constant 3 : i32
      %eq3A_101 = arith.constant 0 : i32
      %eq3A_102 = arith.cmpi eq, %jit3A_100, %eq3A_101 : i32
      %jit3A_103 = arith.constant 1 : i32
      %select_n3A_104 = arith.select %eq3A_102, %jit3A_103, %jit3A_100 : i32
      %rem3A_105 = arith.remsi %jit3A_99, %select_n3A_104 : i32
      %ne3A_106 = arith.constant 0 : i32
      %ne3A_107 = arith.cmpi ne, %rem3A_105, %ne3A_106 : i32
      %lt3A_108 = arith.constant 0 : i32
      %lt3A_109 = arith.cmpi slt, %rem3A_105, %lt3A_108 : i32
      %lt3A_110 = arith.constant 0 : i32
      %lt3A_111 = arith.cmpi slt, %select_n3A_104, %lt3A_110 : i32
      %ne3A_112 = arith.xori %lt3A_109, %lt3A_111 : i1
      %and3A_113 = arith.andi %ne3A_112, %ne3A_107 : i1
      %add3A_114 = arith.addi %rem3A_105, %select_n3A_104 : i32
      %select_n3A_115 = arith.select %and3A_113, %add3A_114, %rem3A_105 : i32
      %mul3A_116 = arith.constant 304 : i32
      %mul3A_117 = arith.muli %select_n3A_115, %mul3A_116 : i32
      %multiple_of3A_118 = tpu.assume_multiple %mul3A_117, 8 : i32
      %dma_start3A_119 = arith.constant 0 : i32
      %dma_start3A_120 = tpu.memref_slice %arg13[%multiple_of3A_118, %dma_start3A_119] : memref<912x128xf32, #tpu.memory_space<vmem>> -> memref<300x128xf32, #tpu.memory_space<vmem>>
      %dma_start3A_121 = arith.constant 0 : i32
      %dma_start3A_122 = tpu.memref_slice %arg6[%dma_start3A_121, %multiple_of3A_98] : memref<300x1000000xf32, #tpu.memory_space<hbm>> -> memref<300x128xf32, #tpu.memory_space<hbm>>
      %dma_start3A_123 = arith.constant 0 : i32
      %dma_start3A_124 = tpu.memref_slice %arg13[%multiple_of3A_118, %dma_start3A_123] : memref<912x128xf32, #tpu.memory_space<vmem>> -> memref<300x128xf32, #tpu.memory_space<vmem>>
      %dma_start3A_125 = arith.constant 0 : i32
      %dma_start3A_126 = tpu.memref_slice %arg6[%dma_start3A_125, %multiple_of3A_98] : memref<300x1000000xf32, #tpu.memory_space<hbm>> -> memref<300x128xf32, #tpu.memory_space<hbm>>
      tpu.enqueue_dma source(%dma_start3A_126 : memref<300x128xf32, #tpu.memory_space<hbm>>) target(%dma_start3A_124 : memref<300x128xf32, #tpu.memory_space<vmem>>) target_semaphore(%arg16 : memref<!tpu.dma_semaphore, #tpu.memory_space<semaphore_mem>>)
    } else {
    }
    %scan3A_31 = arith.constant -1 : i32
    %scan3A_32 = arith.constant -1 : i32
    %scan3A_33 = arith.constant 0 : i32
    %scan3A_34 = arith.constant 512 : i32
    %scan3A_35 = arith.addi %scan3A_33, %scan3A_34 : i32
    %scan3A_36 = arith.constant 1 : i32
    %scan3A_37:2 = scf.for %scan3A_93 = %scan3A_33 to %scan3A_35 step %scan3A_36 iter_args(%scan3A_94 = %scan3A_31, %scan3A_95 = %scan3A_32) -> (i32, i32)  : i32 {
      %add3A_96 = arith.constant 128 : i32
      %add3A_97 = arith.addi %add3A_96, %scan3A_93 : i32
      %get3A_98 = arith.index_cast %add3A_97 : i32 to index
      %get3A_99 = tpu.vector_load %arg10[%get3A_98] {strides = array<i32>} : memref<656xi32, #tpu.memory_space<vmem>>, vector<16xi32>,
      %slice3A_100 = vector.extract_strided_slice %get3A_99 {offsets = [0], sizes = [1], strides = [1]} : vector<16xi32> to vector<1xi32>
      %squeeze3A_101 = vector.extract %slice3A_100[0] : i32 from vector<1xi32>
      %jit3A_102 = arith.constant 128 : i32
      %div3A = arith.divsi %squeeze3A_101, %jit3A_102 : i32
      %sign3A = arith.constant 0 : i32
      %sign3A_103 = arith.cmpi sgt, %squeeze3A_101, %sign3A : i32
      %sign3A_104 = arith.extui %sign3A_103 : i1 to i32
      %sign3A_105 = arith.constant 0 : i32
      %sign3A_106 = arith.cmpi slt, %squeeze3A_101, %sign3A_105 : i32
      %sign3A_107 = arith.extui %sign3A_106 : i1 to i32
      %sign3A_108 = arith.subi %sign3A_104, %sign3A_107 : i32
      %sign3A_109 = arith.constant 0 : i32
      %sign3A_110 = arith.cmpi sgt, %jit3A_102, %sign3A_109 : i32
      %sign3A_111 = arith.extui %sign3A_110 : i1 to i32
      %sign3A_112 = arith.constant 0 : i32
      %sign3A_113 = arith.cmpi slt, %jit3A_102, %sign3A_112 : i32
      %sign3A_114 = arith.extui %sign3A_113 : i1 to i32
      %sign3A_115 = arith.subi %sign3A_111, %sign3A_114 : i32
      %ne3A_116 = arith.cmpi ne, %sign3A_108, %sign3A_115 : i32
      %rem3A_117 = arith.remsi %squeeze3A_101, %jit3A_102 : i32
      %ne3A_118 = arith.constant 0 : i32
      %ne3A_119 = arith.cmpi ne, %rem3A_117, %ne3A_118 : i32
      %and3A_120 = arith.andi %ne3A_116, %ne3A_119 : i1
      %sub3A = arith.constant 1 : i32
      %sub3A_121 = arith.subi %div3A, %sub3A : i32
      %select_n3A_122 = arith.select %and3A_120, %sub3A_121, %div3A : i32
      %mul3A_123 = arith.constant 128 : i32
      %mul3A_124 = arith.muli %select_n3A_122, %mul3A_123 : i32
      %min3A = arith.constant 999872 : i32
      %min3A_125 = arith.minsi %mul3A_124, %min3A : i32
      %ne3A_126 = arith.cmpi ne, %min3A_125, %scan3A_94 : i32
      %add3A_127 = arith.constant 1 : i32
      %add3A_128 = arith.addi %scan3A_95, %add3A_127 : i32
      %select_n3A_129 = arith.select %ne3A_126, %add3A_128, %scan3A_95 : i32
      %convert_element_type3A_130 = arith.extui %ne3A_126 : i1 to i32
      %cond3A_131 = arith.constant 0 : i32
      %cond3A_132 = arith.cmpi ne, %convert_element_type3A_130, %cond3A_131 : i32
      scf.if %cond3A_132 {
        %add3A_399 = arith.constant 2 : i32
        %add3A_400 = arith.addi %select_n3A_129, %add3A_399 : i32
        %lt3A_401 = arith.cmpi slt, %add3A_400, %scan3A_5 : i32
        %convert_element_type3A_402 = arith.extui %lt3A_401 : i1 to i32
        %cond3A_403 = arith.constant 0 : i32
        %cond3A_404 = arith.cmpi ne, %convert_element_type3A_402, %cond3A_403 : i32
        scf.if %cond3A_404 {
          %add3A_416 = arith.constant 2 : i32
          %add3A_417 = arith.addi %select_n3A_129, %add3A_416 : i32
          %get3A_418 = arith.index_cast %add3A_417 : i32 to index
          %get3A_419 = tpu.vector_load %arg12[%get3A_418] {strides = array<i32>} : memref<528xi32, #tpu.memory_space<vmem>>, vector<16xi32>,
          %slice3A_420 = vector.extract_strided_slice %get3A_419 {offsets = [0], sizes = [1], strides = [1]} : vector<16xi32> to vector<1xi32>
          %squeeze3A_421 = vector.extract %slice3A_420[0] : i32 from vector<1xi32>
          %multiple_of3A_422 = tpu.assume_multiple %squeeze3A_421, 128 : i32
          %jit3A_423 = arith.constant 3 : i32
          %eq3A_424 = arith.constant 0 : i32
          %eq3A_425 = arith.cmpi eq, %jit3A_423, %eq3A_424 : i32
          %jit3A_426 = arith.constant 1 : i32
          %select_n3A_427 = arith.select %eq3A_425, %jit3A_426, %jit3A_423 : i32
          %rem3A_428 = arith.remsi %add3A_417, %select_n3A_427 : i32
          %ne3A_429 = arith.constant 0 : i32
          %ne3A_430 = arith.cmpi ne, %rem3A_428, %ne3A_429 : i32
          %lt3A_431 = arith.constant 0 : i32
          %lt3A_432 = arith.cmpi slt, %rem3A_428, %lt3A_431 : i32
          %lt3A_433 = arith.constant 0 : i32
          %lt3A_434 = arith.cmpi slt, %select_n3A_427, %lt3A_433 : i32
          %ne3A_435 = arith.xori %lt3A_432, %lt3A_434 : i1
          %and3A_436 = arith.andi %ne3A_435, %ne3A_430 : i1
          %add3A_437 = arith.addi %rem3A_428, %select_n3A_427 : i32
          %select_n3A_438 = arith.select %and3A_436, %add3A_437, %rem3A_428 : i32
          %mul3A_439 = arith.constant 304 : i32
          %mul3A_440 = arith.muli %select_n3A_438, %mul3A_439 : i32
          %multiple_of3A_441 = tpu.assume_multiple %mul3A_440, 8 : i32
          %dma_start3A_442 = arith.constant 0 : i32
          %dma_start3A_443 = tpu.memref_slice %arg13[%multiple_of3A_441, %dma_start3A_442] : memref<912x128xf32, #tpu.memory_space<vmem>> -> memref<300x128xf32, #tpu.memory_space<vmem>>
          %dma_start3A_444 = arith.constant 0 : i32
          %dma_start3A_445 = tpu.memref_slice %arg6[%dma_start3A_444, %multiple_of3A_422] : memref<300x1000000xf32, #tpu.memory_space<hbm>> -> memref<300x128xf32, #tpu.memory_space<hbm>>
          %dma_start3A_446 = arith.constant 0 : i32
          %dma_start3A_447 = tpu.memref_slice %arg13[%multiple_of3A_441, %dma_start3A_446] : memref<912x128xf32, #tpu.memory_space<vmem>> -> memref<300x128xf32, #tpu.memory_space<vmem>>
          %dma_start3A_448 = arith.constant 0 : i32
          %dma_start3A_449 = tpu.memref_slice %arg6[%dma_start3A_448, %multiple_of3A_422] : memref<300x1000000xf32, #tpu.memory_space<hbm>> -> memref<300x128xf32, #tpu.memory_space<hbm>>
          tpu.enqueue_dma source(%dma_start3A_449 : memref<300x128xf32, #tpu.memory_space<hbm>>) target(%dma_start3A_447 : memref<300x128xf32, #tpu.memory_space<vmem>>) target_semaphore(%arg16 : memref<!tpu.dma_semaphore, #tpu.memory_space<semaphore_mem>>)
        } else {
        }
        %dma_wait3A = arith.constant 0 : i32
        %dma_wait3A_405 = arith.constant 0 : i32
        %dma_wait3A_406 = tpu.memref_slice %arg13[%dma_wait3A, %dma_wait3A_405] : memref<912x128xf32, #tpu.memory_space<vmem>> -> memref<300x128xf32, #tpu.memory_space<vmem>>
        %dma_wait3A_407 = arith.constant 0 : i32
        %dma_wait3A_408 = arith.constant 0 : i32
        %dma_wait3A_409 = tpu.memref_slice %arg6[%dma_wait3A_407, %dma_wait3A_408] : memref<300x1000000xf32, #tpu.memory_space<hbm>> -> memref<300x128xf32, #tpu.memory_space<hbm>>
        %dma_wait3A_410 = arith.constant 0 : i32
        %dma_wait3A_411 = arith.constant 0 : i32
        %dma_wait3A_412 = tpu.memref_slice %arg13[%dma_wait3A_410, %dma_wait3A_411] : memref<912x128xf32, #tpu.memory_space<vmem>> -> memref<300x128xf32, #tpu.memory_space<vmem>>
        %dma_wait3A_413 = arith.constant 0 : i32
        %dma_wait3A_414 = arith.constant 0 : i32
        %dma_wait3A_415 = tpu.memref_slice %arg6[%dma_wait3A_413, %dma_wait3A_414] : memref<300x1000000xf32, #tpu.memory_space<hbm>> -> memref<300x128xf32, #tpu.memory_space<hbm>>
        tpu.wait_dma2 semaphore(%arg16 : memref<!tpu.dma_semaphore, #tpu.memory_space<semaphore_mem>>) src(%dma_wait3A_415 : memref<300x128xf32, #tpu.memory_space<hbm>>) dst(%dma_wait3A_412 : memref<300x128xf32, #tpu.memory_space<vmem>>)
      } else {
      }
      %jit3A_133 = arith.constant 3 : i32
      %eq3A_134 = arith.constant 0 : i32
      %eq3A_135 = arith.cmpi eq, %jit3A_133, %eq3A_134 : i32
      %jit3A_136 = arith.constant 1 : i32
      %select_n3A_137 = arith.select %eq3A_135, %jit3A_136, %jit3A_133 : i32
      %rem3A_138 = arith.remsi %select_n3A_129, %select_n3A_137 : i32
      %ne3A_139 = arith.constant 0 : i32
      %ne3A_140 = arith.cmpi ne, %rem3A_138, %ne3A_139 : i32
      %lt3A_141 = arith.constant 0 : i32
      %lt3A_142 = arith.cmpi slt, %rem3A_138, %lt3A_141 : i32
      %lt3A_143 = arith.constant 0 : i32
      %lt3A_144 = arith.cmpi slt, %select_n3A_137, %lt3A_143 : i32
      %ne3A_145 = arith.xori %lt3A_142, %lt3A_144 : i1
      %and3A_146 = arith.andi %ne3A_145, %ne3A_140 : i1
      %add3A_147 = arith.addi %rem3A_138, %select_n3A_137 : i32
      %select_n3A_148 = arith.select %and3A_146, %add3A_147, %rem3A_138 : i32
      %mul3A_149 = arith.constant 304 : i32
      %mul3A_150 = arith.muli %select_n3A_148, %mul3A_149 : i32
      %sub3A_151 = arith.subi %squeeze3A_101, %min3A_125 : i32
      %broadcast_in_dim3A = vector.broadcast %sub3A_151 : i32 to vector<16xi32>
      %jit3A_152 = arith.constant 16 : i32
      %eq3A_153 = arith.constant 0 : i32
      %eq3A_154 = arith.cmpi eq, %jit3A_152, %eq3A_153 : i32
      %jit3A_155 = arith.constant 1 : i32
      %select_n3A_156 = arith.select %eq3A_154, %jit3A_155, %jit3A_152 : i32
      %rem3A_157 = arith.remsi %scan3A_93, %select_n3A_156 : i32
      %ne3A_158 = arith.constant 0 : i32
      %ne3A_159 = arith.cmpi ne, %rem3A_157, %ne3A_158 : i32
      %lt3A_160 = arith.constant 0 : i32
      %lt3A_161 = arith.cmpi slt, %rem3A_157, %lt3A_160 : i32
      %lt3A_162 = arith.constant 0 : i32
      %lt3A_163 = arith.cmpi slt, %select_n3A_156, %lt3A_162 : i32
      %ne3A_164 = arith.xori %lt3A_161, %lt3A_163 : i1
      %and3A_165 = arith.andi %ne3A_164, %ne3A_159 : i1
      %add3A_166 = arith.addi %rem3A_157, %select_n3A_156 : i32
      %select_n3A_167 = arith.select %and3A_165, %add3A_166, %rem3A_157 : i32
      %add3A_168 = arith.constant 0 : i32
      %add3A_169 = vector.broadcast %add3A_168 : i32 to vector<16xi32>
      %add3A_170 = arith.addi %iota3A, %add3A_169 : vector<16xi32>
      %min3A_171 = arith.constant 299 : i32
      %min3A_172 = vector.broadcast %min3A_171 : i32 to vector<16xi32>
      %min3A_173 = arith.minsi %add3A_170, %min3A_172 : vector<16xi32>
      %add3A_174 = vector.broadcast %mul3A_150 : i32 to vector<16xi32>
      %add3A_175 = arith.addi %min3A_173, %add3A_174 : vector<16xi32>
      %gather3A = tpu.vector_load_idx %arg13[%add3A_175, %broadcast_in_dim3A] : memref<912x128xf32, #tpu.memory_space<vmem>>[vector<16xi32>, vector<16xi32>], vector<16xf32>,
      %swap3A = arith.index_cast %select_n3A_167 : i32 to index
      %swap3A_176 = arith.constant 0 : index
      %swap3A_177 = tpu.vector_load %arg14[%swap3A, %swap3A_176] {strides = array<i32>} : memref<16x384xf32, #tpu.memory_space<vmem>>, vector<16xf32>,
      tpu.vector_store %arg14[%swap3A, %swap3A_176], %gather3A {strides = array<i32>} : memref<16x384xf32, #tpu.memory_space<vmem>>, vector<16xf32>,
      %add3A_178 = arith.constant 16 : i32
      %add3A_179 = vector.broadcast %add3A_178 : i32 to vector<16xi32>
      %add3A_180 = arith.addi %iota3A, %add3A_179 : vector<16xi32>
      %min3A_181 = arith.constant 299 : i32
      %min3A_182 = vector.broadcast %min3A_181 : i32 to vector<16xi32>
      %min3A_183 = arith.minsi %add3A_180, %min3A_182 : vector<16xi32>
      %add3A_184 = vector.broadcast %mul3A_150 : i32 to vector<16xi32>
      %add3A_185 = arith.addi %min3A_183, %add3A_184 : vector<16xi32>
      %gather3A_186 = tpu.vector_load_idx %arg13[%add3A_185, %broadcast_in_dim3A] : memref<912x128xf32, #tpu.memory_space<vmem>>[vector<16xi32>, vector<16xi32>], vector<16xf32>,
      %swap3A_187 = arith.index_cast %select_n3A_167 : i32 to index
      %swap3A_188 = arith.constant 16 : index
      %swap3A_189 = tpu.vector_load %arg14[%swap3A_187, %swap3A_188] {strides = array<i32>} : memref<16x384xf32, #tpu.memory_space<vmem>>, vector<16xf32>,
      tpu.vector_store %arg14[%swap3A_187, %swap3A_188], %gather3A_186 {strides = array<i32>} : memref<16x384xf32, #tpu.memory_space<vmem>>, vector<16xf32>,
      %add3A_190 = arith.constant 32 : i32
      %add3A_191 = vector.broadcast %add3A_190 : i32 to vector<16xi32>
      %add3A_192 = arith.addi %iota3A, %add3A_191 : vector<16xi32>
      %min3A_193 = arith.constant 299 : i32
      %min3A_194 = vector.broadcast %min3A_193 : i32 to vector<16xi32>
      %min3A_195 = arith.minsi %add3A_192, %min3A_194 : vector<16xi32>
      %add3A_196 = vector.broadcast %mul3A_150 : i32 to vector<16xi32>
      %add3A_197 = arith.addi %min3A_195, %add3A_196 : vector<16xi32>
      %gather3A_198 = tpu.vector_load_idx %arg13[%add3A_197, %broadcast_in_dim3A] : memref<912x128xf32, #tpu.memory_space<vmem>>[vector<16xi32>, vector<16xi32>], vector<16xf32>,
      %swap3A_199 = arith.index_cast %select_n3A_167 : i32 to index
      %swap3A_200 = arith.constant 32 : index
      %swap3A_201 = tpu.vector_load %arg14[%swap3A_199, %swap3A_200] {strides = array<i32>} : memref<16x384xf32, #tpu.memory_space<vmem>>, vector<16xf32>,
      tpu.vector_store %arg14[%swap3A_199, %swap3A_200], %gather3A_198 {strides = array<i32>} : memref<16x384xf32, #tpu.memory_space<vmem>>, vector<16xf32>,
      %add3A_202 = arith.constant 48 : i32
      %add3A_203 = vector.broadcast %add3A_202 : i32 to vector<16xi32>
      %add3A_204 = arith.addi %iota3A, %add3A_203 : vector<16xi32>
      %min3A_205 = arith.constant 299 : i32
      %min3A_206 = vector.broadcast %min3A_205 : i32 to vector<16xi32>
      %min3A_207 = arith.minsi %add3A_204, %min3A_206 : vector<16xi32>
      %add3A_208 = vector.broadcast %mul3A_150 : i32 to vector<16xi32>
      %add3A_209 = arith.addi %min3A_207, %add3A_208 : vector<16xi32>
      %gather3A_210 = tpu.vector_load_idx %arg13[%add3A_209, %broadcast_in_dim3A] : memref<912x128xf32, #tpu.memory_space<vmem>>[vector<16xi32>, vector<16xi32>], vector<16xf32>,
      %swap3A_211 = arith.index_cast %select_n3A_167 : i32 to index
      %swap3A_212 = arith.constant 48 : index
      %swap3A_213 = tpu.vector_load %arg14[%swap3A_211, %swap3A_212] {strides = array<i32>} : memref<16x384xf32, #tpu.memory_space<vmem>>, vector<16xf32>,
      tpu.vector_store %arg14[%swap3A_211, %swap3A_212], %gather3A_210 {strides = array<i32>} : memref<16x384xf32, #tpu.memory_space<vmem>>, vector<16xf32>,
      %add3A_214 = arith.constant 64 : i32
      %add3A_215 = vector.broadcast %add3A_214 : i32 to vector<16xi32>
      %add3A_216 = arith.addi %iota3A, %add3A_215 : vector<16xi32>
      %min3A_217 = arith.constant 299 : i32
      %min3A_218 = vector.broadcast %min3A_217 : i32 to vector<16xi32>
      %min3A_219 = arith.minsi %add3A_216, %min3A_218 : vector<16xi32>
      %add3A_220 = vector.broadcast %mul3A_150 : i32 to vector<16xi32>
      %add3A_221 = arith.addi %min3A_219, %add3A_220 : vector<16xi32>
      %gather3A_222 = tpu.vector_load_idx %arg13[%add3A_221, %broadcast_in_dim3A] : memref<912x128xf32, #tpu.memory_space<vmem>>[vector<16xi32>, vector<16xi32>], vector<16xf32>,
      %swap3A_223 = arith.index_cast %select_n3A_167 : i32 to index
      %swap3A_224 = arith.constant 64 : index
      %swap3A_225 = tpu.vector_load %arg14[%swap3A_223, %swap3A_224] {strides = array<i32>} : memref<16x384xf32, #tpu.memory_space<vmem>>, vector<16xf32>,
      tpu.vector_store %arg14[%swap3A_223, %swap3A_224], %gather3A_222 {strides = array<i32>} : memref<16x384xf32, #tpu.memory_space<vmem>>, vector<16xf32>,
      %add3A_226 = arith.constant 80 : i32
      %add3A_227 = vector.broadcast %add3A_226 : i32 to vector<16xi32>
      %add3A_228 = arith.addi %iota3A, %add3A_227 : vector<16xi32>
      %min3A_229 = arith.constant 299 : i32
      %min3A_230 = vector.broadcast %min3A_229 : i32 to vector<16xi32>
      %min3A_231 = arith.minsi %add3A_228, %min3A_230 : vector<16xi32>
      %add3A_232 = vector.broadcast %mul3A_150 : i32 to vector<16xi32>
      %add3A_233 = arith.addi %min3A_231, %add3A_232 : vector<16xi32>
      %gather3A_234 = tpu.vector_load_idx %arg13[%add3A_233, %broadcast_in_dim3A] : memref<912x128xf32, #tpu.memory_space<vmem>>[vector<16xi32>, vector<16xi32>], vector<16xf32>,
      %swap3A_235 = arith.index_cast %select_n3A_167 : i32 to index
      %swap3A_236 = arith.constant 80 : index
      %swap3A_237 = tpu.vector_load %arg14[%swap3A_235, %swap3A_236] {strides = array<i32>} : memref<16x384xf32, #tpu.memory_space<vmem>>, vector<16xf32>,
      tpu.vector_store %arg14[%swap3A_235, %swap3A_236], %gather3A_234 {strides = array<i32>} : memref<16x384xf32, #tpu.memory_space<vmem>>, vector<16xf32>,
      %add3A_238 = arith.constant 96 : i32
      %add3A_239 = vector.broadcast %add3A_238 : i32 to vector<16xi32>
      %add3A_240 = arith.addi %iota3A, %add3A_239 : vector<16xi32>
      %min3A_241 = arith.constant 299 : i32
      %min3A_242 = vector.broadcast %min3A_241 : i32 to vector<16xi32>
      %min3A_243 = arith.minsi %add3A_240, %min3A_242 : vector<16xi32>
      %add3A_244 = vector.broadcast %mul3A_150 : i32 to vector<16xi32>
      %add3A_245 = arith.addi %min3A_243, %add3A_244 : vector<16xi32>
      %gather3A_246 = tpu.vector_load_idx %arg13[%add3A_245, %broadcast_in_dim3A] : memref<912x128xf32, #tpu.memory_space<vmem>>[vector<16xi32>, vector<16xi32>], vector<16xf32>,
      %swap3A_247 = arith.index_cast %select_n3A_167 : i32 to index
      %swap3A_248 = arith.constant 96 : index
      %swap3A_249 = tpu.vector_load %arg14[%swap3A_247, %swap3A_248] {strides = array<i32>} : memref<16x384xf32, #tpu.memory_space<vmem>>, vector<16xf32>,
      tpu.vector_store %arg14[%swap3A_247, %swap3A_248], %gather3A_246 {strides = array<i32>} : memref<16x384xf32, #tpu.memory_space<vmem>>, vector<16xf32>,
      %add3A_250 = arith.constant 112 : i32
      %add3A_251 = vector.broadcast %add3A_250 : i32 to vector<16xi32>
      %add3A_252 = arith.addi %iota3A, %add3A_251 : vector<16xi32>
      %min3A_253 = arith.constant 299 : i32
      %min3A_254 = vector.broadcast %min3A_253 : i32 to vector<16xi32>
      %min3A_255 = arith.minsi %add3A_252, %min3A_254 : vector<16xi32>
      %add3A_256 = vector.broadcast %mul3A_150 : i32 to vector<16xi32>
      %add3A_257 = arith.addi %min3A_255, %add3A_256 : vector<16xi32>
      %gather3A_258 = tpu.vector_load_idx %arg13[%add3A_257, %broadcast_in_dim3A] : memref<912x128xf32, #tpu.memory_space<vmem>>[vector<16xi32>, vector<16xi32>], vector<16xf32>,
      %swap3A_259 = arith.index_cast %select_n3A_167 : i32 to index
      %swap3A_260 = arith.constant 112 : index
      %swap3A_261 = tpu.vector_load %arg14[%swap3A_259, %swap3A_260] {strides = array<i32>} : memref<16x384xf32, #tpu.memory_space<vmem>>, vector<16xf32>,
      tpu.vector_store %arg14[%swap3A_259, %swap3A_260], %gather3A_258 {strides = array<i32>} : memref<16x384xf32, #tpu.memory_space<vmem>>, vector<16xf32>,
      %add3A_262 = arith.constant 128 : i32
      %add3A_263 = vector.broadcast %add3A_262 : i32 to vector<16xi32>
      %add3A_264 = arith.addi %iota3A, %add3A_263 : vector<16xi32>
      %min3A_265 = arith.constant 299 : i32
      %min3A_266 = vector.broadcast %min3A_265 : i32 to vector<16xi32>
      %min3A_267 = arith.minsi %add3A_264, %min3A_266 : vector<16xi32>
      %add3A_268 = vector.broadcast %mul3A_150 : i32 to vector<16xi32>
      %add3A_269 = arith.addi %min3A_267, %add3A_268 : vector<16xi32>
      %gather3A_270 = tpu.vector_load_idx %arg13[%add3A_269, %broadcast_in_dim3A] : memref<912x128xf32, #tpu.memory_space<vmem>>[vector<16xi32>, vector<16xi32>], vector<16xf32>,
      %swap3A_271 = arith.index_cast %select_n3A_167 : i32 to index
      %swap3A_272 = arith.constant 128 : index
      %swap3A_273 = tpu.vector_load %arg14[%swap3A_271, %swap3A_272] {strides = array<i32>} : memref<16x384xf32, #tpu.memory_space<vmem>>, vector<16xf32>,
      tpu.vector_store %arg14[%swap3A_271, %swap3A_272], %gather3A_270 {strides = array<i32>} : memref<16x384xf32, #tpu.memory_space<vmem>>, vector<16xf32>,
      %add3A_274 = arith.constant 144 : i32
      %add3A_275 = vector.broadcast %add3A_274 : i32 to vector<16xi32>
      %add3A_276 = arith.addi %iota3A, %add3A_275 : vector<16xi32>
      %min3A_277 = arith.constant 299 : i32
      %min3A_278 = vector.broadcast %min3A_277 : i32 to vector<16xi32>
      %min3A_279 = arith.minsi %add3A_276, %min3A_278 : vector<16xi32>
      %add3A_280 = vector.broadcast %mul3A_150 : i32 to vector<16xi32>
      %add3A_281 = arith.addi %min3A_279, %add3A_280 : vector<16xi32>
      %gather3A_282 = tpu.vector_load_idx %arg13[%add3A_281, %broadcast_in_dim3A] : memref<912x128xf32, #tpu.memory_space<vmem>>[vector<16xi32>, vector<16xi32>], vector<16xf32>,
      %swap3A_283 = arith.index_cast %select_n3A_167 : i32 to index
      %swap3A_284 = arith.constant 144 : index
      %swap3A_285 = tpu.vector_load %arg14[%swap3A_283, %swap3A_284] {strides = array<i32>} : memref<16x384xf32, #tpu.memory_space<vmem>>, vector<16xf32>,
      tpu.vector_store %arg14[%swap3A_283, %swap3A_284], %gather3A_282 {strides = array<i32>} : memref<16x384xf32, #tpu.memory_space<vmem>>, vector<16xf32>,
      %add3A_286 = arith.constant 160 : i32
      %add3A_287 = vector.broadcast %add3A_286 : i32 to vector<16xi32>
      %add3A_288 = arith.addi %iota3A, %add3A_287 : vector<16xi32>
      %min3A_289 = arith.constant 299 : i32
      %min3A_290 = vector.broadcast %min3A_289 : i32 to vector<16xi32>
      %min3A_291 = arith.minsi %add3A_288, %min3A_290 : vector<16xi32>
      %add3A_292 = vector.broadcast %mul3A_150 : i32 to vector<16xi32>
      %add3A_293 = arith.addi %min3A_291, %add3A_292 : vector<16xi32>
      %gather3A_294 = tpu.vector_load_idx %arg13[%add3A_293, %broadcast_in_dim3A] : memref<912x128xf32, #tpu.memory_space<vmem>>[vector<16xi32>, vector<16xi32>], vector<16xf32>,
      %swap3A_295 = arith.index_cast %select_n3A_167 : i32 to index
      %swap3A_296 = arith.constant 160 : index
      %swap3A_297 = tpu.vector_load %arg14[%swap3A_295, %swap3A_296] {strides = array<i32>} : memref<16x384xf32, #tpu.memory_space<vmem>>, vector<16xf32>,
      tpu.vector_store %arg14[%swap3A_295, %swap3A_296], %gather3A_294 {strides = array<i32>} : memref<16x384xf32, #tpu.memory_space<vmem>>, vector<16xf32>,
      %add3A_298 = arith.constant 176 : i32
      %add3A_299 = vector.broadcast %add3A_298 : i32 to vector<16xi32>
      %add3A_300 = arith.addi %iota3A, %add3A_299 : vector<16xi32>
      %min3A_301 = arith.constant 299 : i32
      %min3A_302 = vector.broadcast %min3A_301 : i32 to vector<16xi32>
      %min3A_303 = arith.minsi %add3A_300, %min3A_302 : vector<16xi32>
      %add3A_304 = vector.broadcast %mul3A_150 : i32 to vector<16xi32>
      %add3A_305 = arith.addi %min3A_303, %add3A_304 : vector<16xi32>
      %gather3A_306 = tpu.vector_load_idx %arg13[%add3A_305, %broadcast_in_dim3A] : memref<912x128xf32, #tpu.memory_space<vmem>>[vector<16xi32>, vector<16xi32>], vector<16xf32>,
      %swap3A_307 = arith.index_cast %select_n3A_167 : i32 to index
      %swap3A_308 = arith.constant 176 : index
      %swap3A_309 = tpu.vector_load %arg14[%swap3A_307, %swap3A_308] {strides = array<i32>} : memref<16x384xf32, #tpu.memory_space<vmem>>, vector<16xf32>,
      tpu.vector_store %arg14[%swap3A_307, %swap3A_308], %gather3A_306 {strides = array<i32>} : memref<16x384xf32, #tpu.memory_space<vmem>>, vector<16xf32>,
      %add3A_310 = arith.constant 192 : i32
      %add3A_311 = vector.broadcast %add3A_310 : i32 to vector<16xi32>
      %add3A_312 = arith.addi %iota3A, %add3A_311 : vector<16xi32>
      %min3A_313 = arith.constant 299 : i32
      %min3A_314 = vector.broadcast %min3A_313 : i32 to vector<16xi32>
      %min3A_315 = arith.minsi %add3A_312, %min3A_314 : vector<16xi32>
      %add3A_316 = vector.broadcast %mul3A_150 : i32 to vector<16xi32>
      %add3A_317 = arith.addi %min3A_315, %add3A_316 : vector<16xi32>
      %gather3A_318 = tpu.vector_load_idx %arg13[%add3A_317, %broadcast_in_dim3A] : memref<912x128xf32, #tpu.memory_space<vmem>>[vector<16xi32>, vector<16xi32>], vector<16xf32>,
      %swap3A_319 = arith.index_cast %select_n3A_167 : i32 to index
      %swap3A_320 = arith.constant 192 : index
      %swap3A_321 = tpu.vector_load %arg14[%swap3A_319, %swap3A_320] {strides = array<i32>} : memref<16x384xf32, #tpu.memory_space<vmem>>, vector<16xf32>,
      tpu.vector_store %arg14[%swap3A_319, %swap3A_320], %gather3A_318 {strides = array<i32>} : memref<16x384xf32, #tpu.memory_space<vmem>>, vector<16xf32>,
      %add3A_322 = arith.constant 208 : i32
      %add3A_323 = vector.broadcast %add3A_322 : i32 to vector<16xi32>
      %add3A_324 = arith.addi %iota3A, %add3A_323 : vector<16xi32>
      %min3A_325 = arith.constant 299 : i32
      %min3A_326 = vector.broadcast %min3A_325 : i32 to vector<16xi32>
      %min3A_327 = arith.minsi %add3A_324, %min3A_326 : vector<16xi32>
      %add3A_328 = vector.broadcast %mul3A_150 : i32 to vector<16xi32>
      %add3A_329 = arith.addi %min3A_327, %add3A_328 : vector<16xi32>
      %gather3A_330 = tpu.vector_load_idx %arg13[%add3A_329, %broadcast_in_dim3A] : memref<912x128xf32, #tpu.memory_space<vmem>>[vector<16xi32>, vector<16xi32>], vector<16xf32>,
      %swap3A_331 = arith.index_cast %select_n3A_167 : i32 to index
      %swap3A_332 = arith.constant 208 : index
      %swap3A_333 = tpu.vector_load %arg14[%swap3A_331, %swap3A_332] {strides = array<i32>} : memref<16x384xf32, #tpu.memory_space<vmem>>, vector<16xf32>,
      tpu.vector_store %arg14[%swap3A_331, %swap3A_332], %gather3A_330 {strides = array<i32>} : memref<16x384xf32, #tpu.memory_space<vmem>>, vector<16xf32>,
      %add3A_334 = arith.constant 224 : i32
      %add3A_335 = vector.broadcast %add3A_334 : i32 to vector<16xi32>
      %add3A_336 = arith.addi %iota3A, %add3A_335 : vector<16xi32>
      %min3A_337 = arith.constant 299 : i32
      %min3A_338 = vector.broadcast %min3A_337 : i32 to vector<16xi32>
      %min3A_339 = arith.minsi %add3A_336, %min3A_338 : vector<16xi32>
      %add3A_340 = vector.broadcast %mul3A_150 : i32 to vector<16xi32>
      %add3A_341 = arith.addi %min3A_339, %add3A_340 : vector<16xi32>
      %gather3A_342 = tpu.vector_load_idx %arg13[%add3A_341, %broadcast_in_dim3A] : memref<912x128xf32, #tpu.memory_space<vmem>>[vector<16xi32>, vector<16xi32>], vector<16xf32>,
      %swap3A_343 = arith.index_cast %select_n3A_167 : i32 to index
      %swap3A_344 = arith.constant 224 : index
      %swap3A_345 = tpu.vector_load %arg14[%swap3A_343, %swap3A_344] {strides = array<i32>} : memref<16x384xf32, #tpu.memory_space<vmem>>, vector<16xf32>,
      tpu.vector_store %arg14[%swap3A_343, %swap3A_344], %gather3A_342 {strides = array<i32>} : memref<16x384xf32, #tpu.memory_space<vmem>>, vector<16xf32>,
      %add3A_346 = arith.constant 240 : i32
      %add3A_347 = vector.broadcast %add3A_346 : i32 to vector<16xi32>
      %add3A_348 = arith.addi %iota3A, %add3A_347 : vector<16xi32>
      %min3A_349 = arith.constant 299 : i32
      %min3A_350 = vector.broadcast %min3A_349 : i32 to vector<16xi32>
      %min3A_351 = arith.minsi %add3A_348, %min3A_350 : vector<16xi32>
      %add3A_352 = vector.broadcast %mul3A_150 : i32 to vector<16xi32>
      %add3A_353 = arith.addi %min3A_351, %add3A_352 : vector<16xi32>
      %gather3A_354 = tpu.vector_load_idx %arg13[%add3A_353, %broadcast_in_dim3A] : memref<912x128xf32, #tpu.memory_space<vmem>>[vector<16xi32>, vector<16xi32>], vector<16xf32>,
      %swap3A_355 = arith.index_cast %select_n3A_167 : i32 to index
      %swap3A_356 = arith.constant 240 : index
      %swap3A_357 = tpu.vector_load %arg14[%swap3A_355, %swap3A_356] {strides = array<i32>} : memref<16x384xf32, #tpu.memory_space<vmem>>, vector<16xf32>,
      tpu.vector_store %arg14[%swap3A_355, %swap3A_356], %gather3A_354 {strides = array<i32>} : memref<16x384xf32, #tpu.memory_space<vmem>>, vector<16xf32>,
      %add3A_358 = arith.constant 256 : i32
      %add3A_359 = vector.broadcast %add3A_358 : i32 to vector<16xi32>
      %add3A_360 = arith.addi %iota3A, %add3A_359 : vector<16xi32>
      %min3A_361 = arith.constant 299 : i32
      %min3A_362 = vector.broadcast %min3A_361 : i32 to vector<16xi32>
      %min3A_363 = arith.minsi %add3A_360, %min3A_362 : vector<16xi32>
      %add3A_364 = vector.broadcast %mul3A_150 : i32 to vector<16xi32>
      %add3A_365 = arith.addi %min3A_363, %add3A_364 : vector<16xi32>
      %gather3A_366 = tpu.vector_load_idx %arg13[%add3A_365, %broadcast_in_dim3A] : memref<912x128xf32, #tpu.memory_space<vmem>>[vector<16xi32>, vector<16xi32>], vector<16xf32>,
      %swap3A_367 = arith.index_cast %select_n3A_167 : i32 to index
      %swap3A_368 = arith.constant 256 : index
      %swap3A_369 = tpu.vector_load %arg14[%swap3A_367, %swap3A_368] {strides = array<i32>} : memref<16x384xf32, #tpu.memory_space<vmem>>, vector<16xf32>,
      tpu.vector_store %arg14[%swap3A_367, %swap3A_368], %gather3A_366 {strides = array<i32>} : memref<16x384xf32, #tpu.memory_space<vmem>>, vector<16xf32>,
      %add3A_370 = arith.constant 272 : i32
      %add3A_371 = vector.broadcast %add3A_370 : i32 to vector<16xi32>
      %add3A_372 = arith.addi %iota3A, %add3A_371 : vector<16xi32>
      %min3A_373 = arith.constant 299 : i32
      %min3A_374 = vector.broadcast %min3A_373 : i32 to vector<16xi32>
      %min3A_375 = arith.minsi %add3A_372, %min3A_374 : vector<16xi32>
      %add3A_376 = vector.broadcast %mul3A_150 : i32 to vector<16xi32>
      %add3A_377 = arith.addi %min3A_375, %add3A_376 : vector<16xi32>
      %gather3A_378 = tpu.vector_load_idx %arg13[%add3A_377, %broadcast_in_dim3A] : memref<912x128xf32, #tpu.memory_space<vmem>>[vector<16xi32>, vector<16xi32>], vector<16xf32>,
      %swap3A_379 = arith.index_cast %select_n3A_167 : i32 to index
      %swap3A_380 = arith.constant 272 : index
      %swap3A_381 = tpu.vector_load %arg14[%swap3A_379, %swap3A_380] {strides = array<i32>} : memref<16x384xf32, #tpu.memory_space<vmem>>, vector<16xf32>,
      tpu.vector_store %arg14[%swap3A_379, %swap3A_380], %gather3A_378 {strides = array<i32>} : memref<16x384xf32, #tpu.memory_space<vmem>>, vector<16xf32>,
      %add3A_382 = arith.constant 288 : i32
      %add3A_383 = vector.broadcast %add3A_382 : i32 to vector<16xi32>
      %add3A_384 = arith.addi %iota3A, %add3A_383 : vector<16xi32>
      %min3A_385 = arith.constant 299 : i32
      %min3A_386 = vector.broadcast %min3A_385 : i32 to vector<16xi32>
      %min3A_387 = arith.minsi %add3A_384, %min3A_386 : vector<16xi32>
      %add3A_388 = vector.broadcast %mul3A_150 : i32 to vector<16xi32>
      %add3A_389 = arith.addi %min3A_387, %add3A_388 : vector<16xi32>
      %gather3A_390 = tpu.vector_load_idx %arg13[%add3A_389, %broadcast_in_dim3A] : memref<912x128xf32, #tpu.memory_space<vmem>>[vector<16xi32>, vector<16xi32>], vector<16xf32>,
      %swap3A_391 = arith.index_cast %select_n3A_167 : i32 to index
      %swap3A_392 = arith.constant 288 : index
      %swap3A_393 = tpu.vector_load %arg14[%swap3A_391, %swap3A_392] {strides = array<i32>} : memref<16x384xf32, #tpu.memory_space<vmem>>, vector<16xf32>,
      tpu.vector_store %arg14[%swap3A_391, %swap3A_392], %gather3A_390 {strides = array<i32>} : memref<16x384xf32, #tpu.memory_space<vmem>>, vector<16xf32>,
      %eq3A_394 = arith.constant 15 : i32
      %eq3A_395 = arith.cmpi eq, %select_n3A_167, %eq3A_394 : i32
      %convert_element_type3A_396 = arith.extui %eq3A_395 : i1 to i32
      %cond3A_397 = arith.constant 0 : i32
      %cond3A_398 = arith.cmpi ne, %convert_element_type3A_396, %cond3A_397 : i32
      scf.if %cond3A_398 {
        %jit3A_399 = arith.constant 16 : i32
        %div3A_400 = arith.divsi %scan3A_93, %jit3A_399 : i32
        %sign3A_401 = arith.constant 0 : i32
        %sign3A_402 = arith.cmpi sgt, %scan3A_93, %sign3A_401 : i32
        %sign3A_403 = arith.extui %sign3A_402 : i1 to i32
        %sign3A_404 = arith.constant 0 : i32
        %sign3A_405 = arith.cmpi slt, %scan3A_93, %sign3A_404 : i32
        %sign3A_406 = arith.extui %sign3A_405 : i1 to i32
        %sign3A_407 = arith.subi %sign3A_403, %sign3A_406 : i32
        %sign3A_408 = arith.constant 0 : i32
        %sign3A_409 = arith.cmpi sgt, %jit3A_399, %sign3A_408 : i32
        %sign3A_410 = arith.extui %sign3A_409 : i1 to i32
        %sign3A_411 = arith.constant 0 : i32
        %sign3A_412 = arith.cmpi slt, %jit3A_399, %sign3A_411 : i32
        %sign3A_413 = arith.extui %sign3A_412 : i1 to i32
        %sign3A_414 = arith.subi %sign3A_410, %sign3A_413 : i32
        %ne3A_415 = arith.cmpi ne, %sign3A_407, %sign3A_414 : i32
        %rem3A_416 = arith.remsi %scan3A_93, %jit3A_399 : i32
        %ne3A_417 = arith.constant 0 : i32
        %ne3A_418 = arith.cmpi ne, %rem3A_416, %ne3A_417 : i32
        %and3A_419 = arith.andi %ne3A_415, %ne3A_418 : i1
        %sub3A_420 = arith.constant 1 : i32
        %sub3A_421 = arith.subi %div3A_400, %sub3A_420 : i32
        %select_n3A_422 = arith.select %and3A_419, %sub3A_421, %div3A_400 : i32
        %sub3A_423 = arith.constant 15 : i32
        %sub3A_424 = arith.subi %scan3A_93, %sub3A_423 : i32
        %multiple_of3A_425 = tpu.assume_multiple %sub3A_424, 16 : i32
        %get3A_426 = arith.index_cast %multiple_of3A_425 : i32 to index
        %get3A_427 = tpu.vector_load %arg11[%get3A_426] {strides = array<i32>} : memref<512xi32, #tpu.memory_space<vmem>>, vector<16xi32>,
        %swap3A_428 = arith.index_cast %select_n3A_422 : i32 to index
        %swap3A_429 = arith.constant 0 : index
        %swap3A_430 = tpu.vector_load %arg15[%swap3A_428, %swap3A_429] {strides = array<i32>} : memref<32x16xi32, #tpu.memory_space<vmem>>, vector<16xi32>,
        tpu.vector_store %arg15[%swap3A_428, %swap3A_429], %get3A_427 {strides = array<i32>} : memref<32x16xi32, #tpu.memory_space<vmem>>, vector<16xi32>,
        %dma_start3A_431 = arith.constant 0 : i32
        %dma_start3A_432 = tpu.memref_slice %arg15[%select_n3A_422, %dma_start3A_431] : memref<32x16xi32, #tpu.memory_space<vmem>> -> memref<1x16xi32, #tpu.memory_space<vmem>>
        %dma_start3A_433 = tpu.memref_squeeze %dma_start3A_432 : memref<1x16xi32, #tpu.memory_space<vmem>> -> memref<16xi32, #tpu.memory_space<vmem>>
        %dma_start3A_434 = arith.constant 0 : i32
        %dma_start3A_435 = arith.constant 0 : i32
        %dma_start3A_436 = tpu.memref_slice %arg8[%dma_start3A_434, %dma_start3A_435] : memref<16384x384xf32, #tpu.memory_space<hbm>> -> memref<16384x384xf32, #tpu.memory_space<hbm>>
        tpu.enqueue_indirect_dma source(%arg14 : memref<16x384xf32, #tpu.memory_space<vmem>>) target(%dma_start3A_436 : memref<16384x384xf32, #tpu.memory_space<hbm>>) offsets(%dma_start3A_433 : memref<16xi32, #tpu.memory_space<vmem>>) semaphore(%arg17 : memref<!tpu.dma_semaphore, #tpu.memory_space<semaphore_mem>>)
        %dma_wait3A = arith.constant 0 : i32
        %dma_wait3A_437 = tpu.memref_slice %arg15[%select_n3A_422, %dma_wait3A] : memref<32x16xi32, #tpu.memory_space<vmem>> -> memref<1x16xi32, #tpu.memory_space<vmem>>
        %dma_wait3A_438 = tpu.memref_squeeze %dma_wait3A_437 : memref<1x16xi32, #tpu.memory_space<vmem>> -> memref<16xi32, #tpu.memory_space<vmem>>
        %dma_wait3A_439 = arith.constant 0 : i32
        %dma_wait3A_440 = arith.constant 0 : i32
        %dma_wait3A_441 = tpu.memref_slice %arg8[%dma_wait3A_439, %dma_wait3A_440] : memref<16384x384xf32, #tpu.memory_space<hbm>> -> memref<16384x384xf32, #tpu.memory_space<hbm>>
        tpu.wait_indirect_dma semaphore(%arg17 : memref<!tpu.dma_semaphore, #tpu.memory_space<semaphore_mem>>) src(%arg14 : memref<16x384xf32, #tpu.memory_space<vmem>>) dst(%dma_wait3A_441 : memref<16384x384xf32, #tpu.memory_space<hbm>>)
      } else {
      }
      scf.yield %min3A_125, %select_n3A_129 : i32, i32
    }
    %scan3A_38 = arith.constant 512 : i32
    "tpu.region"() ({
      %run_scoped3A = tpu.sem_alloc : memref<!tpu.dma_semaphore, #tpu.memory_space<semaphore_mem>>
      %dma_start3A_93 = arith.constant 128 : i32
      %dma_start3A_94 = tpu.memref_slice %arg10[%dma_start3A_93] : memref<656xi32, #tpu.memory_space<vmem>> -> memref<512xi32, #tpu.memory_space<vmem>>
      %dma_start3A_95 = arith.constant 0 : i32
      %dma_start3A_96 = tpu.memref_slice %arg4[%add3A, %dma_start3A_95] : memref<32x512xi32, #tpu.memory_space<hbm>> -> memref<1x512xi32, #tpu.memory_space<hbm>>
      %dma_start3A_97 = tpu.memref_squeeze %dma_start3A_96 : memref<1x512xi32, #tpu.memory_space<hbm>> -> memref<512xi32, #tpu.memory_space<hbm>>
      %dma_start3A_98 = arith.constant 128 : i32
      %dma_start3A_99 = tpu.memref_slice %arg10[%dma_start3A_98] : memref<656xi32, #tpu.memory_space<vmem>> -> memref<512xi32, #tpu.memory_space<vmem>>
      %dma_start3A_100 = arith.constant 0 : i32
      %dma_start3A_101 = tpu.memref_slice %arg4[%add3A, %dma_start3A_100] : memref<32x512xi32, #tpu.memory_space<hbm>> -> memref<1x512xi32, #tpu.memory_space<hbm>>
      %dma_start3A_102 = tpu.memref_squeeze %dma_start3A_101 : memref<1x512xi32, #tpu.memory_space<hbm>> -> memref<512xi32, #tpu.memory_space<hbm>>
      tpu.enqueue_dma source(%dma_start3A_102 : memref<512xi32, #tpu.memory_space<hbm>>) target(%dma_start3A_99 : memref<512xi32, #tpu.memory_space<vmem>>) target_semaphore(%run_scoped3A : memref<!tpu.dma_semaphore, #tpu.memory_space<semaphore_mem>>)
      %dma_wait3A = arith.constant 128 : i32
      %dma_wait3A_103 = tpu.memref_slice %arg10[%dma_wait3A] : memref<656xi32, #tpu.memory_space<vmem>> -> memref<512xi32, #tpu.memory_space<vmem>>
      %dma_wait3A_104 = arith.constant 0 : i32
      %dma_wait3A_105 = tpu.memref_slice %arg4[%add3A, %dma_wait3A_104] : memref<32x512xi32, #tpu.memory_space<hbm>> -> memref<1x512xi32, #tpu.memory_space<hbm>>
      %dma_wait3A_106 = tpu.memref_squeeze %dma_wait3A_105 : memref<1x512xi32, #tpu.memory_space<hbm>> -> memref<512xi32, #tpu.memory_space<hbm>>
      %dma_wait3A_107 = arith.constant 128 : i32
      %dma_wait3A_108 = tpu.memref_slice %arg10[%dma_wait3A_107] : memref<656xi32, #tpu.memory_space<vmem>> -> memref<512xi32, #tpu.memory_space<vmem>>
      %dma_wait3A_109 = arith.constant 0 : i32
      %dma_wait3A_110 = tpu.memref_slice %arg4[%add3A, %dma_wait3A_109] : memref<32x512xi32, #tpu.memory_space<hbm>> -> memref<1x512xi32, #tpu.memory_space<hbm>>
      %dma_wait3A_111 = tpu.memref_squeeze %dma_wait3A_110 : memref<1x512xi32, #tpu.memory_space<hbm>> -> memref<512xi32, #tpu.memory_space<hbm>>
      tpu.wait_dma2 semaphore(%run_scoped3A : memref<!tpu.dma_semaphore, #tpu.memory_space<semaphore_mem>>) src(%dma_wait3A_111 : memref<512xi32, #tpu.memory_space<hbm>>) dst(%dma_wait3A_108 : memref<512xi32, #tpu.memory_space<vmem>>)
      tpu.yield
    }) : () -> ()
    "tpu.region"() ({
      %run_scoped3A = tpu.sem_alloc : memref<!tpu.dma_semaphore, #tpu.memory_space<semaphore_mem>>
      %dma_start3A_93 = arith.constant 0 : i32
      %dma_start3A_94 = tpu.memref_slice %arg5[%add3A, %dma_start3A_93] : memref<32x512xi32, #tpu.memory_space<hbm>> -> memref<1x512xi32, #tpu.memory_space<hbm>>
      %dma_start3A_95 = tpu.memref_squeeze %dma_start3A_94 : memref<1x512xi32, #tpu.memory_space<hbm>> -> memref<512xi32, #tpu.memory_space<hbm>>
      %dma_start3A_96 = arith.constant 0 : i32
      %dma_start3A_97 = tpu.memref_slice %arg5[%add3A, %dma_start3A_96] : memref<32x512xi32, #tpu.memory_space<hbm>> -> memref<1x512xi32, #tpu.memory_space<hbm>>
      %dma_start3A_98 = tpu.memref_squeeze %dma_start3A_97 : memref<1x512xi32, #tpu.memory_space<hbm>> -> memref<512xi32, #tpu.memory_space<hbm>>
      tpu.enqueue_dma source(%dma_start3A_98 : memref<512xi32, #tpu.memory_space<hbm>>) target(%arg11 : memref<512xi32, #tpu.memory_space<vmem>>) target_semaphore(%run_scoped3A : memref<!tpu.dma_semaphore, #tpu.memory_space<semaphore_mem>>)
      %dma_wait3A = arith.constant 0 : i32
      %dma_wait3A_99 = tpu.memref_slice %arg5[%add3A, %dma_wait3A] : memref<32x512xi32, #tpu.memory_space<hbm>> -> memref<1x512xi32, #tpu.memory_space<hbm>>
      %dma_wait3A_100 = tpu.memref_squeeze %dma_wait3A_99 : memref<1x512xi32, #tpu.memory_space<hbm>> -> memref<512xi32, #tpu.memory_space<hbm>>
      %dma_wait3A_101 = arith.constant 0 : i32
      %dma_wait3A_102 = tpu.memref_slice %arg5[%add3A, %dma_wait3A_101] : memref<32x512xi32, #tpu.memory_space<hbm>> -> memref<1x512xi32, #tpu.memory_space<hbm>>
      %dma_wait3A_103 = tpu.memref_squeeze %dma_wait3A_102 : memref<1x512xi32, #tpu.memory_space<hbm>> -> memref<512xi32, #tpu.memory_space<hbm>>
      tpu.wait_dma2 semaphore(%run_scoped3A : memref<!tpu.dma_semaphore, #tpu.memory_space<semaphore_mem>>) src(%dma_wait3A_103 : memref<512xi32, #tpu.memory_space<hbm>>) dst(%arg11 : memref<512xi32, #tpu.memory_space<vmem>>)
      tpu.yield
    }) : () -> ()
    %scan3A_39 = arith.constant 0 : i32
    %scan3A_40 = arith.constant 0 : i32
    %scan3A_41 = arith.constant 32 : i32
    %scan3A_42 = arith.addi %scan3A_40, %scan3A_41 : i32
    %scan3A_43 = arith.constant 1 : i32
    %scan3A_44 = scf.for %scan3A_93 = %scan3A_40 to %scan3A_42 step %scan3A_43 iter_args(%scan3A_94 = %scan3A_39) -> (i32)  : i32 {
      %mul3A_95 = arith.constant 16 : i32
      %mul3A_96 = arith.muli %scan3A_93, %mul3A_95 : i32
      %add3A_97 = arith.constant 128 : i32
      %add3A_98 = arith.addi %add3A_97, %mul3A_96 : i32
      %get3A_99 = arith.index_cast %add3A_98 : i32 to index
      %get3A_100 = tpu.vector_load %arg10[%get3A_99] {strides = array<i32>} : memref<656xi32, #tpu.memory_space<vmem>>, vector<16xi32>,
      %jit3A_101 = arith.constant 128 : i32
      %div3A = vector.broadcast %jit3A_101 : i32 to vector<16xi32>
      %div3A_102 = arith.divsi %get3A_100, %div3A : vector<16xi32>
      %sign3A = arith.constant 0 : i32
      %sign3A_103 = vector.broadcast %sign3A : i32 to vector<16xi32>
      %sign3A_104 = arith.cmpi sgt, %get3A_100, %sign3A_103 : vector<16xi32>
      %sign3A_105 = arith.extui %sign3A_104 : vector<16xi1> to vector<16xi32>
      %sign3A_106 = arith.constant 0 : i32
      %sign3A_107 = vector.broadcast %sign3A_106 : i32 to vector<16xi32>
      %sign3A_108 = arith.cmpi slt, %get3A_100, %sign3A_107 : vector<16xi32>
      %sign3A_109 = arith.extui %sign3A_108 : vector<16xi1> to vector<16xi32>
      %sign3A_110 = arith.subi %sign3A_105, %sign3A_109 : vector<16xi32>
      %sign3A_111 = arith.constant 0 : i32
      %sign3A_112 = arith.cmpi sgt, %jit3A_101, %sign3A_111 : i32
      %sign3A_113 = arith.extui %sign3A_112 : i1 to i32
      %sign3A_114 = arith.constant 0 : i32
      %sign3A_115 = arith.cmpi slt, %jit3A_101, %sign3A_114 : i32
      %sign3A_116 = arith.extui %sign3A_115 : i1 to i32
      %sign3A_117 = arith.subi %sign3A_113, %sign3A_116 : i32
      %ne3A_118 = vector.broadcast %sign3A_117 : i32 to vector<16xi32>
      %ne3A_119 = arith.cmpi ne, %sign3A_110, %ne3A_118 : vector<16xi32>
      %rem3A_120 = vector.broadcast %jit3A_101 : i32 to vector<16xi32>
      %rem3A_121 = arith.remsi %get3A_100, %rem3A_120 : vector<16xi32>
      %ne3A_122 = arith.constant 0 : i32
      %ne3A_123 = vector.broadcast %ne3A_122 : i32 to vector<16xi32>
      %ne3A_124 = arith.cmpi ne, %rem3A_121, %ne3A_123 : vector<16xi32>
      %and3A_125 = arith.andi %ne3A_119, %ne3A_124 : vector<16xi1>
      %sub3A = arith.constant 1 : i32
      %sub3A_126 = vector.broadcast %sub3A : i32 to vector<16xi32>
      %sub3A_127 = arith.subi %div3A_102, %sub3A_126 : vector<16xi32>
      %select_n3A_128 = arith.select %and3A_125, %sub3A_127, %div3A_102 : vector<16xi1>, vector<16xi32>
      %mul3A_129 = arith.constant 128 : i32
      %mul3A_130 = vector.broadcast %mul3A_129 : i32 to vector<16xi32>
      %mul3A_131 = arith.muli %select_n3A_128, %mul3A_130 : vector<16xi32>
      %min3A = arith.constant 999872 : i32
      %min3A_132 = vector.broadcast %min3A : i32 to vector<16xi32>
      %min3A_133 = arith.minsi %mul3A_131, %min3A_132 : vector<16xi32>
      %mul3A_134 = arith.constant 16 : i32
      %mul3A_135 = arith.muli %scan3A_93, %mul3A_134 : i32
      %add3A_136 = arith.constant 127 : i32
      %add3A_137 = arith.addi %add3A_136, %mul3A_135 : i32
      %get3A_138 = arith.index_cast %add3A_137 : i32 to index
      %get3A_139 = tpu.vector_load %arg10[%get3A_138] {strides = array<i32>} : memref<656xi32, #tpu.memory_space<vmem>>, vector<16xi32>,
      %jit3A_140 = arith.constant 128 : i32
      %div3A_141 = vector.broadcast %jit3A_140 : i32 to vector<16xi32>
      %div3A_142 = arith.divsi %get3A_139, %div3A_141 : vector<16xi32>
      %sign3A_143 = arith.constant 0 : i32
      %sign3A_144 = vector.broadcast %sign3A_143 : i32 to vector<16xi32>
      %sign3A_145 = arith.cmpi sgt, %get3A_139, %sign3A_144 : vector<16xi32>
      %sign3A_146 = arith.extui %sign3A_145 : vector<16xi1> to vector<16xi32>
      %sign3A_147 = arith.constant 0 : i32
      %sign3A_148 = vector.broadcast %sign3A_147 : i32 to vector<16xi32>
      %sign3A_149 = arith.cmpi slt, %get3A_139, %sign3A_148 : vector<16xi32>
      %sign3A_150 = arith.extui %sign3A_149 : vector<16xi1> to vector<16xi32>
      %sign3A_151 = arith.subi %sign3A_146, %sign3A_150 : vector<16xi32>
      %sign3A_152 = arith.constant 0 : i32
      %sign3A_153 = arith.cmpi sgt, %jit3A_140, %sign3A_152 : i32
      %sign3A_154 = arith.extui %sign3A_153 : i1 to i32
      %sign3A_155 = arith.constant 0 : i32
      %sign3A_156 = arith.cmpi slt, %jit3A_140, %sign3A_155 : i32
      %sign3A_157 = arith.extui %sign3A_156 : i1 to i32
      %sign3A_158 = arith.subi %sign3A_154, %sign3A_157 : i32
      %ne3A_159 = vector.broadcast %sign3A_158 : i32 to vector<16xi32>
      %ne3A_160 = arith.cmpi ne, %sign3A_151, %ne3A_159 : vector<16xi32>
      %rem3A_161 = vector.broadcast %jit3A_140 : i32 to vector<16xi32>
      %rem3A_162 = arith.remsi %get3A_139, %rem3A_161 : vector<16xi32>
      %ne3A_163 = arith.constant 0 : i32
      %ne3A_164 = vector.broadcast %ne3A_163 : i32 to vector<16xi32>
      %ne3A_165 = arith.cmpi ne, %rem3A_162, %ne3A_164 : vector<16xi32>
      %and3A_166 = arith.andi %ne3A_160, %ne3A_165 : vector<16xi1>
      %sub3A_167 = arith.constant 1 : i32
      %sub3A_168 = vector.broadcast %sub3A_167 : i32 to vector<16xi32>
      %sub3A_169 = arith.subi %div3A_142, %sub3A_168 : vector<16xi32>
      %select_n3A_170 = arith.select %and3A_166, %sub3A_169, %div3A_142 : vector<16xi1>, vector<16xi32>
      %mul3A_171 = arith.constant 128 : i32
      %mul3A_172 = vector.broadcast %mul3A_171 : i32 to vector<16xi32>
      %mul3A_173 = arith.muli %select_n3A_170, %mul3A_172 : vector<16xi32>
      %min3A_174 = arith.constant 999872 : i32
      %min3A_175 = vector.broadcast %min3A_174 : i32 to vector<16xi32>
      %min3A_176 = arith.minsi %mul3A_173, %min3A_175 : vector<16xi32>
      %ne3A_177 = arith.cmpi ne, %min3A_133, %min3A_176 : vector<16xi32>
      %add3A_178 = vector.broadcast %scan3A_93 : i32 to vector<16xi32>
      %add3A_179 = arith.addi %iota3A, %add3A_178 : vector<16xi32>
      %eq3A_180 = arith.constant 0 : i32
      %eq3A_181 = vector.broadcast %eq3A_180 : i32 to vector<16xi32>
      %eq3A_182 = arith.cmpi eq, %add3A_179, %eq3A_181 : vector<16xi32>
      %or3A = arith.ori %ne3A_177, %eq3A_182 : vector<16xi1>
      %swap3A = arith.index_cast %scan3A_94 : i32 to index
      %swap3A_183 = tpu.vector_load %arg12[%swap3A] masked %or3A {strides = array<i32>} : memref<528xi32, #tpu.memory_space<vmem>>, vector<16xi32>, vector<16xi1>
      tpu.vector_store %arg12[%swap3A], %min3A_133 masked %or3A {strides = array<i32>} : memref<528xi32, #tpu.memory_space<vmem>>, vector<16xi32>, vector<16xi1>
      %all_reduce_population_count3A = tpu.all_reduce %or3A {dim = 0 : i64, kind = #tpu.reduction_kind<sum>} : vector<16xi1> -> vector<16xi32>
      %slice3A_184 = vector.extract_strided_slice %all_reduce_population_count3A {offsets = [0], sizes = [1], strides = [1]} : vector<16xi32> to vector<1xi32>
      %squeeze3A_185 = vector.extract %slice3A_184[0] : i32 from vector<1xi32>
      %add3A_186 = arith.addi %scan3A_94, %squeeze3A_185 : i32
      scf.yield %add3A_186 : i32
    }
    %scan3A_45 = arith.constant 32 : i32
    %get3A_46 = arith.constant 0 : i32
    %get3A_47 = arith.index_cast %get3A_46 : i32 to index
    %get3A_48 = tpu.vector_load %arg12[%get3A_47] {strides = array<i32>} : memref<528xi32, #tpu.memory_space<vmem>>, vector<16xi32>,
    %slice3A_49 = vector.extract_strided_slice %get3A_48 {offsets = [0], sizes = [1], strides = [1]} : vector<16xi32> to vector<1xi32>
    %squeeze3A_50 = vector.extract %slice3A_49[0] : i32 from vector<1xi32>
    %multiple_of3A_51 = tpu.assume_multiple %squeeze3A_50, 128 : i32
    %jit3A_52 = arith.constant 0 : i32
    %jit3A_53 = arith.constant 3 : i32
    %eq3A_54 = arith.constant 0 : i32
    %eq3A_55 = arith.cmpi eq, %jit3A_53, %eq3A_54 : i32
    %jit3A_56 = arith.constant 1 : i32
    %select_n3A_57 = arith.select %eq3A_55, %jit3A_56, %jit3A_53 : i32
    %rem3A_58 = arith.remsi %jit3A_52, %select_n3A_57 : i32
    %ne3A_59 = arith.constant 0 : i32
    %ne3A_60 = arith.cmpi ne, %rem3A_58, %ne3A_59 : i32
    %lt3A_61 = arith.constant 0 : i32
    %lt3A_62 = arith.cmpi slt, %rem3A_58, %lt3A_61 : i32
    %lt3A_63 = arith.constant 0 : i32
    %lt3A_64 = arith.cmpi slt, %select_n3A_57, %lt3A_63 : i32
    %ne3A_65 = arith.xori %lt3A_62, %lt3A_64 : i1
    %and3A_66 = arith.andi %ne3A_65, %ne3A_60 : i1
    %add3A_67 = arith.addi %rem3A_58, %select_n3A_57 : i32
    %select_n3A_68 = arith.select %and3A_66, %add3A_67, %rem3A_58 : i32
    %mul3A_69 = arith.constant 304 : i32
    %mul3A_70 = arith.muli %select_n3A_68, %mul3A_69 : i32
    %multiple_of3A_71 = tpu.assume_multiple %mul3A_70, 8 : i32
    %dma_start3A_72 = arith.constant 0 : i32
    %dma_start3A_73 = tpu.memref_slice %arg13[%multiple_of3A_71, %dma_start3A_72] : memref<912x128xf32, #tpu.memory_space<vmem>> -> memref<300x128xf32, #tpu.memory_space<vmem>>
    %dma_start3A_74 = arith.constant 0 : i32
    %dma_start3A_75 = tpu.memref_slice %arg7[%dma_start3A_74, %multiple_of3A_51] : memref<300x1000000xf32, #tpu.memory_space<hbm>> -> memref<300x128xf32, #tpu.memory_space<hbm>>
    %dma_start3A_76 = arith.constant 0 : i32
    %dma_start3A_77 = tpu.memref_slice %arg13[%multiple_of3A_71, %dma_start3A_76] : memref<912x128xf32, #tpu.memory_space<vmem>> -> memref<300x128xf32, #tpu.memory_space<vmem>>
    %dma_start3A_78 = arith.constant 0 : i32
    %dma_start3A_79 = tpu.memref_slice %arg7[%dma_start3A_78, %multiple_of3A_51] : memref<300x1000000xf32, #tpu.memory_space<hbm>> -> memref<300x128xf32, #tpu.memory_space<hbm>>
    tpu.enqueue_dma source(%dma_start3A_79 : memref<300x128xf32, #tpu.memory_space<hbm>>) target(%dma_start3A_77 : memref<300x128xf32, #tpu.memory_space<vmem>>) target_semaphore(%arg16 : memref<!tpu.dma_semaphore, #tpu.memory_space<semaphore_mem>>)
    %gt3A_80 = arith.constant 1 : i32
    %gt3A_81 = arith.cmpi sgt, %scan3A_44, %gt3A_80 : i32
    %convert_element_type3A_82 = arith.extui %gt3A_81 : i1 to i32
    %cond3A_83 = arith.constant 0 : i32
    %cond3A_84 = arith.cmpi ne, %convert_element_type3A_82, %cond3A_83 : i32
    scf.if %cond3A_84 {
      %get3A_93 = arith.constant 1 : i32
      %get3A_94 = arith.index_cast %get3A_93 : i32 to index
      %get3A_95 = tpu.vector_load %arg12[%get3A_94] {strides = array<i32>} : memref<528xi32, #tpu.memory_space<vmem>>, vector<16xi32>,
      %slice3A_96 = vector.extract_strided_slice %get3A_95 {offsets = [0], sizes = [1], strides = [1]} : vector<16xi32> to vector<1xi32>
      %squeeze3A_97 = vector.extract %slice3A_96[0] : i32 from vector<1xi32>
      %multiple_of3A_98 = tpu.assume_multiple %squeeze3A_97, 128 : i32
      %jit3A_99 = arith.constant 1 : i32
      %jit3A_100 = arith.constant 3 : i32
      %eq3A_101 = arith.constant 0 : i32
      %eq3A_102 = arith.cmpi eq, %jit3A_100, %eq3A_101 : i32
      %jit3A_103 = arith.constant 1 : i32
      %select_n3A_104 = arith.select %eq3A_102, %jit3A_103, %jit3A_100 : i32
      %rem3A_105 = arith.remsi %jit3A_99, %select_n3A_104 : i32
      %ne3A_106 = arith.constant 0 : i32
      %ne3A_107 = arith.cmpi ne, %rem3A_105, %ne3A_106 : i32
      %lt3A_108 = arith.constant 0 : i32
      %lt3A_109 = arith.cmpi slt, %rem3A_105, %lt3A_108 : i32
      %lt3A_110 = arith.constant 0 : i32
      %lt3A_111 = arith.cmpi slt, %select_n3A_104, %lt3A_110 : i32
      %ne3A_112 = arith.xori %lt3A_109, %lt3A_111 : i1
      %and3A_113 = arith.andi %ne3A_112, %ne3A_107 : i1
      %add3A_114 = arith.addi %rem3A_105, %select_n3A_104 : i32
      %select_n3A_115 = arith.select %and3A_113, %add3A_114, %rem3A_105 : i32
      %mul3A_116 = arith.constant 304 : i32
      %mul3A_117 = arith.muli %select_n3A_115, %mul3A_116 : i32
      %multiple_of3A_118 = tpu.assume_multiple %mul3A_117, 8 : i32
      %dma_start3A_119 = arith.constant 0 : i32
      %dma_start3A_120 = tpu.memref_slice %arg13[%multiple_of3A_118, %dma_start3A_119] : memref<912x128xf32, #tpu.memory_space<vmem>> -> memref<300x128xf32, #tpu.memory_space<vmem>>
      %dma_start3A_121 = arith.constant 0 : i32
      %dma_start3A_122 = tpu.memref_slice %arg7[%dma_start3A_121, %multiple_of3A_98] : memref<300x1000000xf32, #tpu.memory_space<hbm>> -> memref<300x128xf32, #tpu.memory_space<hbm>>
      %dma_start3A_123 = arith.constant 0 : i32
      %dma_start3A_124 = tpu.memref_slice %arg13[%multiple_of3A_118, %dma_start3A_123] : memref<912x128xf32, #tpu.memory_space<vmem>> -> memref<300x128xf32, #tpu.memory_space<vmem>>
      %dma_start3A_125 = arith.constant 0 : i32
      %dma_start3A_126 = tpu.memref_slice %arg7[%dma_start3A_125, %multiple_of3A_98] : memref<300x1000000xf32, #tpu.memory_space<hbm>> -> memref<300x128xf32, #tpu.memory_space<hbm>>
      tpu.enqueue_dma source(%dma_start3A_126 : memref<300x128xf32, #tpu.memory_space<hbm>>) target(%dma_start3A_124 : memref<300x128xf32, #tpu.memory_space<vmem>>) target_semaphore(%arg16 : memref<!tpu.dma_semaphore, #tpu.memory_space<semaphore_mem>>)
    } else {
    }
    %scan3A_85 = arith.constant -1 : i32
    %scan3A_86 = arith.constant -1 : i32
    %scan3A_87 = arith.constant 0 : i32
    %scan3A_88 = arith.constant 512 : i32
    %scan3A_89 = arith.addi %scan3A_87, %scan3A_88 : i32
    %scan3A_90 = arith.constant 1 : i32
    %scan3A_91:2 = scf.for %scan3A_93 = %scan3A_87 to %scan3A_89 step %scan3A_90 iter_args(%scan3A_94 = %scan3A_85, %scan3A_95 = %scan3A_86) -> (i32, i32)  : i32 {
      %add3A_96 = arith.constant 128 : i32
      %add3A_97 = arith.addi %add3A_96, %scan3A_93 : i32
      %get3A_98 = arith.index_cast %add3A_97 : i32 to index
      %get3A_99 = tpu.vector_load %arg10[%get3A_98] {strides = array<i32>} : memref<656xi32, #tpu.memory_space<vmem>>, vector<16xi32>,
      %slice3A_100 = vector.extract_strided_slice %get3A_99 {offsets = [0], sizes = [1], strides = [1]} : vector<16xi32> to vector<1xi32>
      %squeeze3A_101 = vector.extract %slice3A_100[0] : i32 from vector<1xi32>
      %jit3A_102 = arith.constant 128 : i32
      %div3A = arith.divsi %squeeze3A_101, %jit3A_102 : i32
      %sign3A = arith.constant 0 : i32
      %sign3A_103 = arith.cmpi sgt, %squeeze3A_101, %sign3A : i32
      %sign3A_104 = arith.extui %sign3A_103 : i1 to i32
      %sign3A_105 = arith.constant 0 : i32
      %sign3A_106 = arith.cmpi slt, %squeeze3A_101, %sign3A_105 : i32
      %sign3A_107 = arith.extui %sign3A_106 : i1 to i32
      %sign3A_108 = arith.subi %sign3A_104, %sign3A_107 : i32
      %sign3A_109 = arith.constant 0 : i32
      %sign3A_110 = arith.cmpi sgt, %jit3A_102, %sign3A_109 : i32
      %sign3A_111 = arith.extui %sign3A_110 : i1 to i32
      %sign3A_112 = arith.constant 0 : i32
      %sign3A_113 = arith.cmpi slt, %jit3A_102, %sign3A_112 : i32
      %sign3A_114 = arith.extui %sign3A_113 : i1 to i32
      %sign3A_115 = arith.subi %sign3A_111, %sign3A_114 : i32
      %ne3A_116 = arith.cmpi ne, %sign3A_108, %sign3A_115 : i32
      %rem3A_117 = arith.remsi %squeeze3A_101, %jit3A_102 : i32
      %ne3A_118 = arith.constant 0 : i32
      %ne3A_119 = arith.cmpi ne, %rem3A_117, %ne3A_118 : i32
      %and3A_120 = arith.andi %ne3A_116, %ne3A_119 : i1
      %sub3A = arith.constant 1 : i32
      %sub3A_121 = arith.subi %div3A, %sub3A : i32
      %select_n3A_122 = arith.select %and3A_120, %sub3A_121, %div3A : i32
      %mul3A_123 = arith.constant 128 : i32
      %mul3A_124 = arith.muli %select_n3A_122, %mul3A_123 : i32
      %min3A = arith.constant 999872 : i32
      %min3A_125 = arith.minsi %mul3A_124, %min3A : i32
      %ne3A_126 = arith.cmpi ne, %min3A_125, %scan3A_94 : i32
      %add3A_127 = arith.constant 1 : i32
      %add3A_128 = arith.addi %scan3A_95, %add3A_127 : i32
      %select_n3A_129 = arith.select %ne3A_126, %add3A_128, %scan3A_95 : i32
      %convert_element_type3A_130 = arith.extui %ne3A_126 : i1 to i32
      %cond3A_131 = arith.constant 0 : i32
      %cond3A_132 = arith.cmpi ne, %convert_element_type3A_130, %cond3A_131 : i32
      scf.if %cond3A_132 {
        %add3A_399 = arith.constant 2 : i32
        %add3A_400 = arith.addi %select_n3A_129, %add3A_399 : i32
        %lt3A_401 = arith.cmpi slt, %add3A_400, %scan3A_44 : i32
        %convert_element_type3A_402 = arith.extui %lt3A_401 : i1 to i32
        %cond3A_403 = arith.constant 0 : i32
        %cond3A_404 = arith.cmpi ne, %convert_element_type3A_402, %cond3A_403 : i32
        scf.if %cond3A_404 {
          %add3A_416 = arith.constant 2 : i32
          %add3A_417 = arith.addi %select_n3A_129, %add3A_416 : i32
          %get3A_418 = arith.index_cast %add3A_417 : i32 to index
          %get3A_419 = tpu.vector_load %arg12[%get3A_418] {strides = array<i32>} : memref<528xi32, #tpu.memory_space<vmem>>, vector<16xi32>,
          %slice3A_420 = vector.extract_strided_slice %get3A_419 {offsets = [0], sizes = [1], strides = [1]} : vector<16xi32> to vector<1xi32>
          %squeeze3A_421 = vector.extract %slice3A_420[0] : i32 from vector<1xi32>
          %multiple_of3A_422 = tpu.assume_multiple %squeeze3A_421, 128 : i32
          %jit3A_423 = arith.constant 3 : i32
          %eq3A_424 = arith.constant 0 : i32
          %eq3A_425 = arith.cmpi eq, %jit3A_423, %eq3A_424 : i32
          %jit3A_426 = arith.constant 1 : i32
          %select_n3A_427 = arith.select %eq3A_425, %jit3A_426, %jit3A_423 : i32
          %rem3A_428 = arith.remsi %add3A_417, %select_n3A_427 : i32
          %ne3A_429 = arith.constant 0 : i32
          %ne3A_430 = arith.cmpi ne, %rem3A_428, %ne3A_429 : i32
          %lt3A_431 = arith.constant 0 : i32
          %lt3A_432 = arith.cmpi slt, %rem3A_428, %lt3A_431 : i32
          %lt3A_433 = arith.constant 0 : i32
          %lt3A_434 = arith.cmpi slt, %select_n3A_427, %lt3A_433 : i32
          %ne3A_435 = arith.xori %lt3A_432, %lt3A_434 : i1
          %and3A_436 = arith.andi %ne3A_435, %ne3A_430 : i1
          %add3A_437 = arith.addi %rem3A_428, %select_n3A_427 : i32
          %select_n3A_438 = arith.select %and3A_436, %add3A_437, %rem3A_428 : i32
          %mul3A_439 = arith.constant 304 : i32
          %mul3A_440 = arith.muli %select_n3A_438, %mul3A_439 : i32
          %multiple_of3A_441 = tpu.assume_multiple %mul3A_440, 8 : i32
          %dma_start3A_442 = arith.constant 0 : i32
          %dma_start3A_443 = tpu.memref_slice %arg13[%multiple_of3A_441, %dma_start3A_442] : memref<912x128xf32, #tpu.memory_space<vmem>> -> memref<300x128xf32, #tpu.memory_space<vmem>>
          %dma_start3A_444 = arith.constant 0 : i32
          %dma_start3A_445 = tpu.memref_slice %arg7[%dma_start3A_444, %multiple_of3A_422] : memref<300x1000000xf32, #tpu.memory_space<hbm>> -> memref<300x128xf32, #tpu.memory_space<hbm>>
          %dma_start3A_446 = arith.constant 0 : i32
          %dma_start3A_447 = tpu.memref_slice %arg13[%multiple_of3A_441, %dma_start3A_446] : memref<912x128xf32, #tpu.memory_space<vmem>> -> memref<300x128xf32, #tpu.memory_space<vmem>>
          %dma_start3A_448 = arith.constant 0 : i32
          %dma_start3A_449 = tpu.memref_slice %arg7[%dma_start3A_448, %multiple_of3A_422] : memref<300x1000000xf32, #tpu.memory_space<hbm>> -> memref<300x128xf32, #tpu.memory_space<hbm>>
          tpu.enqueue_dma source(%dma_start3A_449 : memref<300x128xf32, #tpu.memory_space<hbm>>) target(%dma_start3A_447 : memref<300x128xf32, #tpu.memory_space<vmem>>) target_semaphore(%arg16 : memref<!tpu.dma_semaphore, #tpu.memory_space<semaphore_mem>>)
        } else {
        }
        %dma_wait3A = arith.constant 0 : i32
        %dma_wait3A_405 = arith.constant 0 : i32
        %dma_wait3A_406 = tpu.memref_slice %arg13[%dma_wait3A, %dma_wait3A_405] : memref<912x128xf32, #tpu.memory_space<vmem>> -> memref<300x128xf32, #tpu.memory_space<vmem>>
        %dma_wait3A_407 = arith.constant 0 : i32
        %dma_wait3A_408 = arith.constant 0 : i32
        %dma_wait3A_409 = tpu.memref_slice %arg7[%dma_wait3A_407, %dma_wait3A_408] : memref<300x1000000xf32, #tpu.memory_space<hbm>> -> memref<300x128xf32, #tpu.memory_space<hbm>>
        %dma_wait3A_410 = arith.constant 0 : i32
        %dma_wait3A_411 = arith.constant 0 : i32
        %dma_wait3A_412 = tpu.memref_slice %arg13[%dma_wait3A_410, %dma_wait3A_411] : memref<912x128xf32, #tpu.memory_space<vmem>> -> memref<300x128xf32, #tpu.memory_space<vmem>>
        %dma_wait3A_413 = arith.constant 0 : i32
        %dma_wait3A_414 = arith.constant 0 : i32
        %dma_wait3A_415 = tpu.memref_slice %arg7[%dma_wait3A_413, %dma_wait3A_414] : memref<300x1000000xf32, #tpu.memory_space<hbm>> -> memref<300x128xf32, #tpu.memory_space<hbm>>
        tpu.wait_dma2 semaphore(%arg16 : memref<!tpu.dma_semaphore, #tpu.memory_space<semaphore_mem>>) src(%dma_wait3A_415 : memref<300x128xf32, #tpu.memory_space<hbm>>) dst(%dma_wait3A_412 : memref<300x128xf32, #tpu.memory_space<vmem>>)
      } else {
      }
      %jit3A_133 = arith.constant 3 : i32
      %eq3A_134 = arith.constant 0 : i32
      %eq3A_135 = arith.cmpi eq, %jit3A_133, %eq3A_134 : i32
      %jit3A_136 = arith.constant 1 : i32
      %select_n3A_137 = arith.select %eq3A_135, %jit3A_136, %jit3A_133 : i32
      %rem3A_138 = arith.remsi %select_n3A_129, %select_n3A_137 : i32
      %ne3A_139 = arith.constant 0 : i32
      %ne3A_140 = arith.cmpi ne, %rem3A_138, %ne3A_139 : i32
      %lt3A_141 = arith.constant 0 : i32
      %lt3A_142 = arith.cmpi slt, %rem3A_138, %lt3A_141 : i32
      %lt3A_143 = arith.constant 0 : i32
      %lt3A_144 = arith.cmpi slt, %select_n3A_137, %lt3A_143 : i32
      %ne3A_145 = arith.xori %lt3A_142, %lt3A_144 : i1
      %and3A_146 = arith.andi %ne3A_145, %ne3A_140 : i1
      %add3A_147 = arith.addi %rem3A_138, %select_n3A_137 : i32
      %select_n3A_148 = arith.select %and3A_146, %add3A_147, %rem3A_138 : i32
      %mul3A_149 = arith.constant 304 : i32
      %mul3A_150 = arith.muli %select_n3A_148, %mul3A_149 : i32
      %sub3A_151 = arith.subi %squeeze3A_101, %min3A_125 : i32
      %broadcast_in_dim3A = vector.broadcast %sub3A_151 : i32 to vector<16xi32>
      %jit3A_152 = arith.constant 16 : i32
      %eq3A_153 = arith.constant 0 : i32
      %eq3A_154 = arith.cmpi eq, %jit3A_152, %eq3A_153 : i32
      %jit3A_155 = arith.constant 1 : i32
      %select_n3A_156 = arith.select %eq3A_154, %jit3A_155, %jit3A_152 : i32
      %rem3A_157 = arith.remsi %scan3A_93, %select_n3A_156 : i32
      %ne3A_158 = arith.constant 0 : i32
      %ne3A_159 = arith.cmpi ne, %rem3A_157, %ne3A_158 : i32
      %lt3A_160 = arith.constant 0 : i32
      %lt3A_161 = arith.cmpi slt, %rem3A_157, %lt3A_160 : i32
      %lt3A_162 = arith.constant 0 : i32
      %lt3A_163 = arith.cmpi slt, %select_n3A_156, %lt3A_162 : i32
      %ne3A_164 = arith.xori %lt3A_161, %lt3A_163 : i1
      %and3A_165 = arith.andi %ne3A_164, %ne3A_159 : i1
      %add3A_166 = arith.addi %rem3A_157, %select_n3A_156 : i32
      %select_n3A_167 = arith.select %and3A_165, %add3A_166, %rem3A_157 : i32
      %add3A_168 = arith.constant 0 : i32
      %add3A_169 = vector.broadcast %add3A_168 : i32 to vector<16xi32>
      %add3A_170 = arith.addi %iota3A, %add3A_169 : vector<16xi32>
      %min3A_171 = arith.constant 299 : i32
      %min3A_172 = vector.broadcast %min3A_171 : i32 to vector<16xi32>
      %min3A_173 = arith.minsi %add3A_170, %min3A_172 : vector<16xi32>
      %add3A_174 = vector.broadcast %mul3A_150 : i32 to vector<16xi32>
      %add3A_175 = arith.addi %min3A_173, %add3A_174 : vector<16xi32>
      %gather3A = tpu.vector_load_idx %arg13[%add3A_175, %broadcast_in_dim3A] : memref<912x128xf32, #tpu.memory_space<vmem>>[vector<16xi32>, vector<16xi32>], vector<16xf32>,
      %swap3A = arith.index_cast %select_n3A_167 : i32 to index
      %swap3A_176 = arith.constant 0 : index
      %swap3A_177 = tpu.vector_load %arg14[%swap3A, %swap3A_176] {strides = array<i32>} : memref<16x384xf32, #tpu.memory_space<vmem>>, vector<16xf32>,
      tpu.vector_store %arg14[%swap3A, %swap3A_176], %gather3A {strides = array<i32>} : memref<16x384xf32, #tpu.memory_space<vmem>>, vector<16xf32>,
      %add3A_178 = arith.constant 16 : i32
      %add3A_179 = vector.broadcast %add3A_178 : i32 to vector<16xi32>
      %add3A_180 = arith.addi %iota3A, %add3A_179 : vector<16xi32>
      %min3A_181 = arith.constant 299 : i32
      %min3A_182 = vector.broadcast %min3A_181 : i32 to vector<16xi32>
      %min3A_183 = arith.minsi %add3A_180, %min3A_182 : vector<16xi32>
      %add3A_184 = vector.broadcast %mul3A_150 : i32 to vector<16xi32>
      %add3A_185 = arith.addi %min3A_183, %add3A_184 : vector<16xi32>
      %gather3A_186 = tpu.vector_load_idx %arg13[%add3A_185, %broadcast_in_dim3A] : memref<912x128xf32, #tpu.memory_space<vmem>>[vector<16xi32>, vector<16xi32>], vector<16xf32>,
      %swap3A_187 = arith.index_cast %select_n3A_167 : i32 to index
      %swap3A_188 = arith.constant 16 : index
      %swap3A_189 = tpu.vector_load %arg14[%swap3A_187, %swap3A_188] {strides = array<i32>} : memref<16x384xf32, #tpu.memory_space<vmem>>, vector<16xf32>,
      tpu.vector_store %arg14[%swap3A_187, %swap3A_188], %gather3A_186 {strides = array<i32>} : memref<16x384xf32, #tpu.memory_space<vmem>>, vector<16xf32>,
      %add3A_190 = arith.constant 32 : i32
      %add3A_191 = vector.broadcast %add3A_190 : i32 to vector<16xi32>
      %add3A_192 = arith.addi %iota3A, %add3A_191 : vector<16xi32>
      %min3A_193 = arith.constant 299 : i32
      %min3A_194 = vector.broadcast %min3A_193 : i32 to vector<16xi32>
      %min3A_195 = arith.minsi %add3A_192, %min3A_194 : vector<16xi32>
      %add3A_196 = vector.broadcast %mul3A_150 : i32 to vector<16xi32>
      %add3A_197 = arith.addi %min3A_195, %add3A_196 : vector<16xi32>
      %gather3A_198 = tpu.vector_load_idx %arg13[%add3A_197, %broadcast_in_dim3A] : memref<912x128xf32, #tpu.memory_space<vmem>>[vector<16xi32>, vector<16xi32>], vector<16xf32>,
      %swap3A_199 = arith.index_cast %select_n3A_167 : i32 to index
      %swap3A_200 = arith.constant 32 : index
      %swap3A_201 = tpu.vector_load %arg14[%swap3A_199, %swap3A_200] {strides = array<i32>} : memref<16x384xf32, #tpu.memory_space<vmem>>, vector<16xf32>,
      tpu.vector_store %arg14[%swap3A_199, %swap3A_200], %gather3A_198 {strides = array<i32>} : memref<16x384xf32, #tpu.memory_space<vmem>>, vector<16xf32>,
      %add3A_202 = arith.constant 48 : i32
      %add3A_203 = vector.broadcast %add3A_202 : i32 to vector<16xi32>
      %add3A_204 = arith.addi %iota3A, %add3A_203 : vector<16xi32>
      %min3A_205 = arith.constant 299 : i32
      %min3A_206 = vector.broadcast %min3A_205 : i32 to vector<16xi32>
      %min3A_207 = arith.minsi %add3A_204, %min3A_206 : vector<16xi32>
      %add3A_208 = vector.broadcast %mul3A_150 : i32 to vector<16xi32>
      %add3A_209 = arith.addi %min3A_207, %add3A_208 : vector<16xi32>
      %gather3A_210 = tpu.vector_load_idx %arg13[%add3A_209, %broadcast_in_dim3A] : memref<912x128xf32, #tpu.memory_space<vmem>>[vector<16xi32>, vector<16xi32>], vector<16xf32>,
      %swap3A_211 = arith.index_cast %select_n3A_167 : i32 to index
      %swap3A_212 = arith.constant 48 : index
      %swap3A_213 = tpu.vector_load %arg14[%swap3A_211, %swap3A_212] {strides = array<i32>} : memref<16x384xf32, #tpu.memory_space<vmem>>, vector<16xf32>,
      tpu.vector_store %arg14[%swap3A_211, %swap3A_212], %gather3A_210 {strides = array<i32>} : memref<16x384xf32, #tpu.memory_space<vmem>>, vector<16xf32>,
      %add3A_214 = arith.constant 64 : i32
      %add3A_215 = vector.broadcast %add3A_214 : i32 to vector<16xi32>
      %add3A_216 = arith.addi %iota3A, %add3A_215 : vector<16xi32>
      %min3A_217 = arith.constant 299 : i32
      %min3A_218 = vector.broadcast %min3A_217 : i32 to vector<16xi32>
      %min3A_219 = arith.minsi %add3A_216, %min3A_218 : vector<16xi32>
      %add3A_220 = vector.broadcast %mul3A_150 : i32 to vector<16xi32>
      %add3A_221 = arith.addi %min3A_219, %add3A_220 : vector<16xi32>
      %gather3A_222 = tpu.vector_load_idx %arg13[%add3A_221, %broadcast_in_dim3A] : memref<912x128xf32, #tpu.memory_space<vmem>>[vector<16xi32>, vector<16xi32>], vector<16xf32>,
      %swap3A_223 = arith.index_cast %select_n3A_167 : i32 to index
      %swap3A_224 = arith.constant 64 : index
      %swap3A_225 = tpu.vector_load %arg14[%swap3A_223, %swap3A_224] {strides = array<i32>} : memref<16x384xf32, #tpu.memory_space<vmem>>, vector<16xf32>,
      tpu.vector_store %arg14[%swap3A_223, %swap3A_224], %gather3A_222 {strides = array<i32>} : memref<16x384xf32, #tpu.memory_space<vmem>>, vector<16xf32>,
      %add3A_226 = arith.constant 80 : i32
      %add3A_227 = vector.broadcast %add3A_226 : i32 to vector<16xi32>
      %add3A_228 = arith.addi %iota3A, %add3A_227 : vector<16xi32>
      %min3A_229 = arith.constant 299 : i32
      %min3A_230 = vector.broadcast %min3A_229 : i32 to vector<16xi32>
      %min3A_231 = arith.minsi %add3A_228, %min3A_230 : vector<16xi32>
      %add3A_232 = vector.broadcast %mul3A_150 : i32 to vector<16xi32>
      %add3A_233 = arith.addi %min3A_231, %add3A_232 : vector<16xi32>
      %gather3A_234 = tpu.vector_load_idx %arg13[%add3A_233, %broadcast_in_dim3A] : memref<912x128xf32, #tpu.memory_space<vmem>>[vector<16xi32>, vector<16xi32>], vector<16xf32>,
      %swap3A_235 = arith.index_cast %select_n3A_167 : i32 to index
      %swap3A_236 = arith.constant 80 : index
      %swap3A_237 = tpu.vector_load %arg14[%swap3A_235, %swap3A_236] {strides = array<i32>} : memref<16x384xf32, #tpu.memory_space<vmem>>, vector<16xf32>,
      tpu.vector_store %arg14[%swap3A_235, %swap3A_236], %gather3A_234 {strides = array<i32>} : memref<16x384xf32, #tpu.memory_space<vmem>>, vector<16xf32>,
      %add3A_238 = arith.constant 96 : i32
      %add3A_239 = vector.broadcast %add3A_238 : i32 to vector<16xi32>
      %add3A_240 = arith.addi %iota3A, %add3A_239 : vector<16xi32>
      %min3A_241 = arith.constant 299 : i32
      %min3A_242 = vector.broadcast %min3A_241 : i32 to vector<16xi32>
      %min3A_243 = arith.minsi %add3A_240, %min3A_242 : vector<16xi32>
      %add3A_244 = vector.broadcast %mul3A_150 : i32 to vector<16xi32>
      %add3A_245 = arith.addi %min3A_243, %add3A_244 : vector<16xi32>
      %gather3A_246 = tpu.vector_load_idx %arg13[%add3A_245, %broadcast_in_dim3A] : memref<912x128xf32, #tpu.memory_space<vmem>>[vector<16xi32>, vector<16xi32>], vector<16xf32>,
      %swap3A_247 = arith.index_cast %select_n3A_167 : i32 to index
      %swap3A_248 = arith.constant 96 : index
      %swap3A_249 = tpu.vector_load %arg14[%swap3A_247, %swap3A_248] {strides = array<i32>} : memref<16x384xf32, #tpu.memory_space<vmem>>, vector<16xf32>,
      tpu.vector_store %arg14[%swap3A_247, %swap3A_248], %gather3A_246 {strides = array<i32>} : memref<16x384xf32, #tpu.memory_space<vmem>>, vector<16xf32>,
      %add3A_250 = arith.constant 112 : i32
      %add3A_251 = vector.broadcast %add3A_250 : i32 to vector<16xi32>
      %add3A_252 = arith.addi %iota3A, %add3A_251 : vector<16xi32>
      %min3A_253 = arith.constant 299 : i32
      %min3A_254 = vector.broadcast %min3A_253 : i32 to vector<16xi32>
      %min3A_255 = arith.minsi %add3A_252, %min3A_254 : vector<16xi32>
      %add3A_256 = vector.broadcast %mul3A_150 : i32 to vector<16xi32>
      %add3A_257 = arith.addi %min3A_255, %add3A_256 : vector<16xi32>
      %gather3A_258 = tpu.vector_load_idx %arg13[%add3A_257, %broadcast_in_dim3A] : memref<912x128xf32, #tpu.memory_space<vmem>>[vector<16xi32>, vector<16xi32>], vector<16xf32>,
      %swap3A_259 = arith.index_cast %select_n3A_167 : i32 to index
      %swap3A_260 = arith.constant 112 : index
      %swap3A_261 = tpu.vector_load %arg14[%swap3A_259, %swap3A_260] {strides = array<i32>} : memref<16x384xf32, #tpu.memory_space<vmem>>, vector<16xf32>,
      tpu.vector_store %arg14[%swap3A_259, %swap3A_260], %gather3A_258 {strides = array<i32>} : memref<16x384xf32, #tpu.memory_space<vmem>>, vector<16xf32>,
      %add3A_262 = arith.constant 128 : i32
      %add3A_263 = vector.broadcast %add3A_262 : i32 to vector<16xi32>
      %add3A_264 = arith.addi %iota3A, %add3A_263 : vector<16xi32>
      %min3A_265 = arith.constant 299 : i32
      %min3A_266 = vector.broadcast %min3A_265 : i32 to vector<16xi32>
      %min3A_267 = arith.minsi %add3A_264, %min3A_266 : vector<16xi32>
      %add3A_268 = vector.broadcast %mul3A_150 : i32 to vector<16xi32>
      %add3A_269 = arith.addi %min3A_267, %add3A_268 : vector<16xi32>
      %gather3A_270 = tpu.vector_load_idx %arg13[%add3A_269, %broadcast_in_dim3A] : memref<912x128xf32, #tpu.memory_space<vmem>>[vector<16xi32>, vector<16xi32>], vector<16xf32>,
      %swap3A_271 = arith.index_cast %select_n3A_167 : i32 to index
      %swap3A_272 = arith.constant 128 : index
      %swap3A_273 = tpu.vector_load %arg14[%swap3A_271, %swap3A_272] {strides = array<i32>} : memref<16x384xf32, #tpu.memory_space<vmem>>, vector<16xf32>,
      tpu.vector_store %arg14[%swap3A_271, %swap3A_272], %gather3A_270 {strides = array<i32>} : memref<16x384xf32, #tpu.memory_space<vmem>>, vector<16xf32>,
      %add3A_274 = arith.constant 144 : i32
      %add3A_275 = vector.broadcast %add3A_274 : i32 to vector<16xi32>
      %add3A_276 = arith.addi %iota3A, %add3A_275 : vector<16xi32>
      %min3A_277 = arith.constant 299 : i32
      %min3A_278 = vector.broadcast %min3A_277 : i32 to vector<16xi32>
      %min3A_279 = arith.minsi %add3A_276, %min3A_278 : vector<16xi32>
      %add3A_280 = vector.broadcast %mul3A_150 : i32 to vector<16xi32>
      %add3A_281 = arith.addi %min3A_279, %add3A_280 : vector<16xi32>
      %gather3A_282 = tpu.vector_load_idx %arg13[%add3A_281, %broadcast_in_dim3A] : memref<912x128xf32, #tpu.memory_space<vmem>>[vector<16xi32>, vector<16xi32>], vector<16xf32>,
      %swap3A_283 = arith.index_cast %select_n3A_167 : i32 to index
      %swap3A_284 = arith.constant 144 : index
      %swap3A_285 = tpu.vector_load %arg14[%swap3A_283, %swap3A_284] {strides = array<i32>} : memref<16x384xf32, #tpu.memory_space<vmem>>, vector<16xf32>,
      tpu.vector_store %arg14[%swap3A_283, %swap3A_284], %gather3A_282 {strides = array<i32>} : memref<16x384xf32, #tpu.memory_space<vmem>>, vector<16xf32>,
      %add3A_286 = arith.constant 160 : i32
      %add3A_287 = vector.broadcast %add3A_286 : i32 to vector<16xi32>
      %add3A_288 = arith.addi %iota3A, %add3A_287 : vector<16xi32>
      %min3A_289 = arith.constant 299 : i32
      %min3A_290 = vector.broadcast %min3A_289 : i32 to vector<16xi32>
      %min3A_291 = arith.minsi %add3A_288, %min3A_290 : vector<16xi32>
      %add3A_292 = vector.broadcast %mul3A_150 : i32 to vector<16xi32>
      %add3A_293 = arith.addi %min3A_291, %add3A_292 : vector<16xi32>
      %gather3A_294 = tpu.vector_load_idx %arg13[%add3A_293, %broadcast_in_dim3A] : memref<912x128xf32, #tpu.memory_space<vmem>>[vector<16xi32>, vector<16xi32>], vector<16xf32>,
      %swap3A_295 = arith.index_cast %select_n3A_167 : i32 to index
      %swap3A_296 = arith.constant 160 : index
      %swap3A_297 = tpu.vector_load %arg14[%swap3A_295, %swap3A_296] {strides = array<i32>} : memref<16x384xf32, #tpu.memory_space<vmem>>, vector<16xf32>,
      tpu.vector_store %arg14[%swap3A_295, %swap3A_296], %gather3A_294 {strides = array<i32>} : memref<16x384xf32, #tpu.memory_space<vmem>>, vector<16xf32>,
      %add3A_298 = arith.constant 176 : i32
      %add3A_299 = vector.broadcast %add3A_298 : i32 to vector<16xi32>
      %add3A_300 = arith.addi %iota3A, %add3A_299 : vector<16xi32>
      %min3A_301 = arith.constant 299 : i32
      %min3A_302 = vector.broadcast %min3A_301 : i32 to vector<16xi32>
      %min3A_303 = arith.minsi %add3A_300, %min3A_302 : vector<16xi32>
      %add3A_304 = vector.broadcast %mul3A_150 : i32 to vector<16xi32>
      %add3A_305 = arith.addi %min3A_303, %add3A_304 : vector<16xi32>
      %gather3A_306 = tpu.vector_load_idx %arg13[%add3A_305, %broadcast_in_dim3A] : memref<912x128xf32, #tpu.memory_space<vmem>>[vector<16xi32>, vector<16xi32>], vector<16xf32>,
      %swap3A_307 = arith.index_cast %select_n3A_167 : i32 to index
      %swap3A_308 = arith.constant 176 : index
      %swap3A_309 = tpu.vector_load %arg14[%swap3A_307, %swap3A_308] {strides = array<i32>} : memref<16x384xf32, #tpu.memory_space<vmem>>, vector<16xf32>,
      tpu.vector_store %arg14[%swap3A_307, %swap3A_308], %gather3A_306 {strides = array<i32>} : memref<16x384xf32, #tpu.memory_space<vmem>>, vector<16xf32>,
      %add3A_310 = arith.constant 192 : i32
      %add3A_311 = vector.broadcast %add3A_310 : i32 to vector<16xi32>
      %add3A_312 = arith.addi %iota3A, %add3A_311 : vector<16xi32>
      %min3A_313 = arith.constant 299 : i32
      %min3A_314 = vector.broadcast %min3A_313 : i32 to vector<16xi32>
      %min3A_315 = arith.minsi %add3A_312, %min3A_314 : vector<16xi32>
      %add3A_316 = vector.broadcast %mul3A_150 : i32 to vector<16xi32>
      %add3A_317 = arith.addi %min3A_315, %add3A_316 : vector<16xi32>
      %gather3A_318 = tpu.vector_load_idx %arg13[%add3A_317, %broadcast_in_dim3A] : memref<912x128xf32, #tpu.memory_space<vmem>>[vector<16xi32>, vector<16xi32>], vector<16xf32>,
      %swap3A_319 = arith.index_cast %select_n3A_167 : i32 to index
      %swap3A_320 = arith.constant 192 : index
      %swap3A_321 = tpu.vector_load %arg14[%swap3A_319, %swap3A_320] {strides = array<i32>} : memref<16x384xf32, #tpu.memory_space<vmem>>, vector<16xf32>,
      tpu.vector_store %arg14[%swap3A_319, %swap3A_320], %gather3A_318 {strides = array<i32>} : memref<16x384xf32, #tpu.memory_space<vmem>>, vector<16xf32>,
      %add3A_322 = arith.constant 208 : i32
      %add3A_323 = vector.broadcast %add3A_322 : i32 to vector<16xi32>
      %add3A_324 = arith.addi %iota3A, %add3A_323 : vector<16xi32>
      %min3A_325 = arith.constant 299 : i32
      %min3A_326 = vector.broadcast %min3A_325 : i32 to vector<16xi32>
      %min3A_327 = arith.minsi %add3A_324, %min3A_326 : vector<16xi32>
      %add3A_328 = vector.broadcast %mul3A_150 : i32 to vector<16xi32>
      %add3A_329 = arith.addi %min3A_327, %add3A_328 : vector<16xi32>
      %gather3A_330 = tpu.vector_load_idx %arg13[%add3A_329, %broadcast_in_dim3A] : memref<912x128xf32, #tpu.memory_space<vmem>>[vector<16xi32>, vector<16xi32>], vector<16xf32>,
      %swap3A_331 = arith.index_cast %select_n3A_167 : i32 to index
      %swap3A_332 = arith.constant 208 : index
      %swap3A_333 = tpu.vector_load %arg14[%swap3A_331, %swap3A_332] {strides = array<i32>} : memref<16x384xf32, #tpu.memory_space<vmem>>, vector<16xf32>,
      tpu.vector_store %arg14[%swap3A_331, %swap3A_332], %gather3A_330 {strides = array<i32>} : memref<16x384xf32, #tpu.memory_space<vmem>>, vector<16xf32>,
      %add3A_334 = arith.constant 224 : i32
      %add3A_335 = vector.broadcast %add3A_334 : i32 to vector<16xi32>
      %add3A_336 = arith.addi %iota3A, %add3A_335 : vector<16xi32>
      %min3A_337 = arith.constant 299 : i32
      %min3A_338 = vector.broadcast %min3A_337 : i32 to vector<16xi32>
      %min3A_339 = arith.minsi %add3A_336, %min3A_338 : vector<16xi32>
      %add3A_340 = vector.broadcast %mul3A_150 : i32 to vector<16xi32>
      %add3A_341 = arith.addi %min3A_339, %add3A_340 : vector<16xi32>
      %gather3A_342 = tpu.vector_load_idx %arg13[%add3A_341, %broadcast_in_dim3A] : memref<912x128xf32, #tpu.memory_space<vmem>>[vector<16xi32>, vector<16xi32>], vector<16xf32>,
      %swap3A_343 = arith.index_cast %select_n3A_167 : i32 to index
      %swap3A_344 = arith.constant 224 : index
      %swap3A_345 = tpu.vector_load %arg14[%swap3A_343, %swap3A_344] {strides = array<i32>} : memref<16x384xf32, #tpu.memory_space<vmem>>, vector<16xf32>,
      tpu.vector_store %arg14[%swap3A_343, %swap3A_344], %gather3A_342 {strides = array<i32>} : memref<16x384xf32, #tpu.memory_space<vmem>>, vector<16xf32>,
      %add3A_346 = arith.constant 240 : i32
      %add3A_347 = vector.broadcast %add3A_346 : i32 to vector<16xi32>
      %add3A_348 = arith.addi %iota3A, %add3A_347 : vector<16xi32>
      %min3A_349 = arith.constant 299 : i32
      %min3A_350 = vector.broadcast %min3A_349 : i32 to vector<16xi32>
      %min3A_351 = arith.minsi %add3A_348, %min3A_350 : vector<16xi32>
      %add3A_352 = vector.broadcast %mul3A_150 : i32 to vector<16xi32>
      %add3A_353 = arith.addi %min3A_351, %add3A_352 : vector<16xi32>
      %gather3A_354 = tpu.vector_load_idx %arg13[%add3A_353, %broadcast_in_dim3A] : memref<912x128xf32, #tpu.memory_space<vmem>>[vector<16xi32>, vector<16xi32>], vector<16xf32>,
      %swap3A_355 = arith.index_cast %select_n3A_167 : i32 to index
      %swap3A_356 = arith.constant 240 : index
      %swap3A_357 = tpu.vector_load %arg14[%swap3A_355, %swap3A_356] {strides = array<i32>} : memref<16x384xf32, #tpu.memory_space<vmem>>, vector<16xf32>,
      tpu.vector_store %arg14[%swap3A_355, %swap3A_356], %gather3A_354 {strides = array<i32>} : memref<16x384xf32, #tpu.memory_space<vmem>>, vector<16xf32>,
      %add3A_358 = arith.constant 256 : i32
      %add3A_359 = vector.broadcast %add3A_358 : i32 to vector<16xi32>
      %add3A_360 = arith.addi %iota3A, %add3A_359 : vector<16xi32>
      %min3A_361 = arith.constant 299 : i32
      %min3A_362 = vector.broadcast %min3A_361 : i32 to vector<16xi32>
      %min3A_363 = arith.minsi %add3A_360, %min3A_362 : vector<16xi32>
      %add3A_364 = vector.broadcast %mul3A_150 : i32 to vector<16xi32>
      %add3A_365 = arith.addi %min3A_363, %add3A_364 : vector<16xi32>
      %gather3A_366 = tpu.vector_load_idx %arg13[%add3A_365, %broadcast_in_dim3A] : memref<912x128xf32, #tpu.memory_space<vmem>>[vector<16xi32>, vector<16xi32>], vector<16xf32>,
      %swap3A_367 = arith.index_cast %select_n3A_167 : i32 to index
      %swap3A_368 = arith.constant 256 : index
      %swap3A_369 = tpu.vector_load %arg14[%swap3A_367, %swap3A_368] {strides = array<i32>} : memref<16x384xf32, #tpu.memory_space<vmem>>, vector<16xf32>,
      tpu.vector_store %arg14[%swap3A_367, %swap3A_368], %gather3A_366 {strides = array<i32>} : memref<16x384xf32, #tpu.memory_space<vmem>>, vector<16xf32>,
      %add3A_370 = arith.constant 272 : i32
      %add3A_371 = vector.broadcast %add3A_370 : i32 to vector<16xi32>
      %add3A_372 = arith.addi %iota3A, %add3A_371 : vector<16xi32>
      %min3A_373 = arith.constant 299 : i32
      %min3A_374 = vector.broadcast %min3A_373 : i32 to vector<16xi32>
      %min3A_375 = arith.minsi %add3A_372, %min3A_374 : vector<16xi32>
      %add3A_376 = vector.broadcast %mul3A_150 : i32 to vector<16xi32>
      %add3A_377 = arith.addi %min3A_375, %add3A_376 : vector<16xi32>
      %gather3A_378 = tpu.vector_load_idx %arg13[%add3A_377, %broadcast_in_dim3A] : memref<912x128xf32, #tpu.memory_space<vmem>>[vector<16xi32>, vector<16xi32>], vector<16xf32>,
      %swap3A_379 = arith.index_cast %select_n3A_167 : i32 to index
      %swap3A_380 = arith.constant 272 : index
      %swap3A_381 = tpu.vector_load %arg14[%swap3A_379, %swap3A_380] {strides = array<i32>} : memref<16x384xf32, #tpu.memory_space<vmem>>, vector<16xf32>,
      tpu.vector_store %arg14[%swap3A_379, %swap3A_380], %gather3A_378 {strides = array<i32>} : memref<16x384xf32, #tpu.memory_space<vmem>>, vector<16xf32>,
      %add3A_382 = arith.constant 288 : i32
      %add3A_383 = vector.broadcast %add3A_382 : i32 to vector<16xi32>
      %add3A_384 = arith.addi %iota3A, %add3A_383 : vector<16xi32>
      %min3A_385 = arith.constant 299 : i32
      %min3A_386 = vector.broadcast %min3A_385 : i32 to vector<16xi32>
      %min3A_387 = arith.minsi %add3A_384, %min3A_386 : vector<16xi32>
      %add3A_388 = vector.broadcast %mul3A_150 : i32 to vector<16xi32>
      %add3A_389 = arith.addi %min3A_387, %add3A_388 : vector<16xi32>
      %gather3A_390 = tpu.vector_load_idx %arg13[%add3A_389, %broadcast_in_dim3A] : memref<912x128xf32, #tpu.memory_space<vmem>>[vector<16xi32>, vector<16xi32>], vector<16xf32>,
      %swap3A_391 = arith.index_cast %select_n3A_167 : i32 to index
      %swap3A_392 = arith.constant 288 : index
      %swap3A_393 = tpu.vector_load %arg14[%swap3A_391, %swap3A_392] {strides = array<i32>} : memref<16x384xf32, #tpu.memory_space<vmem>>, vector<16xf32>,
      tpu.vector_store %arg14[%swap3A_391, %swap3A_392], %gather3A_390 {strides = array<i32>} : memref<16x384xf32, #tpu.memory_space<vmem>>, vector<16xf32>,
      %eq3A_394 = arith.constant 15 : i32
      %eq3A_395 = arith.cmpi eq, %select_n3A_167, %eq3A_394 : i32
      %convert_element_type3A_396 = arith.extui %eq3A_395 : i1 to i32
      %cond3A_397 = arith.constant 0 : i32
      %cond3A_398 = arith.cmpi ne, %convert_element_type3A_396, %cond3A_397 : i32
      scf.if %cond3A_398 {
        %jit3A_399 = arith.constant 16 : i32
        %div3A_400 = arith.divsi %scan3A_93, %jit3A_399 : i32
        %sign3A_401 = arith.constant 0 : i32
        %sign3A_402 = arith.cmpi sgt, %scan3A_93, %sign3A_401 : i32
        %sign3A_403 = arith.extui %sign3A_402 : i1 to i32
        %sign3A_404 = arith.constant 0 : i32
        %sign3A_405 = arith.cmpi slt, %scan3A_93, %sign3A_404 : i32
        %sign3A_406 = arith.extui %sign3A_405 : i1 to i32
        %sign3A_407 = arith.subi %sign3A_403, %sign3A_406 : i32
        %sign3A_408 = arith.constant 0 : i32
        %sign3A_409 = arith.cmpi sgt, %jit3A_399, %sign3A_408 : i32
        %sign3A_410 = arith.extui %sign3A_409 : i1 to i32
        %sign3A_411 = arith.constant 0 : i32
        %sign3A_412 = arith.cmpi slt, %jit3A_399, %sign3A_411 : i32
        %sign3A_413 = arith.extui %sign3A_412 : i1 to i32
        %sign3A_414 = arith.subi %sign3A_410, %sign3A_413 : i32
        %ne3A_415 = arith.cmpi ne, %sign3A_407, %sign3A_414 : i32
        %rem3A_416 = arith.remsi %scan3A_93, %jit3A_399 : i32
        %ne3A_417 = arith.constant 0 : i32
        %ne3A_418 = arith.cmpi ne, %rem3A_416, %ne3A_417 : i32
        %and3A_419 = arith.andi %ne3A_415, %ne3A_418 : i1
        %sub3A_420 = arith.constant 1 : i32
        %sub3A_421 = arith.subi %div3A_400, %sub3A_420 : i32
        %select_n3A_422 = arith.select %and3A_419, %sub3A_421, %div3A_400 : i32
        %sub3A_423 = arith.constant 15 : i32
        %sub3A_424 = arith.subi %scan3A_93, %sub3A_423 : i32
        %multiple_of3A_425 = tpu.assume_multiple %sub3A_424, 16 : i32
        %get3A_426 = arith.index_cast %multiple_of3A_425 : i32 to index
        %get3A_427 = tpu.vector_load %arg11[%get3A_426] {strides = array<i32>} : memref<512xi32, #tpu.memory_space<vmem>>, vector<16xi32>,
        %swap3A_428 = arith.index_cast %select_n3A_422 : i32 to index
        %swap3A_429 = arith.constant 0 : index
        %swap3A_430 = tpu.vector_load %arg15[%swap3A_428, %swap3A_429] {strides = array<i32>} : memref<32x16xi32, #tpu.memory_space<vmem>>, vector<16xi32>,
        tpu.vector_store %arg15[%swap3A_428, %swap3A_429], %get3A_427 {strides = array<i32>} : memref<32x16xi32, #tpu.memory_space<vmem>>, vector<16xi32>,
        %dma_start3A_431 = arith.constant 0 : i32
        %dma_start3A_432 = tpu.memref_slice %arg15[%select_n3A_422, %dma_start3A_431] : memref<32x16xi32, #tpu.memory_space<vmem>> -> memref<1x16xi32, #tpu.memory_space<vmem>>
        %dma_start3A_433 = tpu.memref_squeeze %dma_start3A_432 : memref<1x16xi32, #tpu.memory_space<vmem>> -> memref<16xi32, #tpu.memory_space<vmem>>
        %dma_start3A_434 = arith.constant 0 : i32
        %dma_start3A_435 = arith.constant 0 : i32
        %dma_start3A_436 = tpu.memref_slice %arg9[%dma_start3A_434, %dma_start3A_435] : memref<16384x384xf32, #tpu.memory_space<hbm>> -> memref<16384x384xf32, #tpu.memory_space<hbm>>
        tpu.enqueue_indirect_dma source(%arg14 : memref<16x384xf32, #tpu.memory_space<vmem>>) target(%dma_start3A_436 : memref<16384x384xf32, #tpu.memory_space<hbm>>) offsets(%dma_start3A_433 : memref<16xi32, #tpu.memory_space<vmem>>) semaphore(%arg17 : memref<!tpu.dma_semaphore, #tpu.memory_space<semaphore_mem>>)
        %dma_wait3A = arith.constant 0 : i32
        %dma_wait3A_437 = tpu.memref_slice %arg15[%select_n3A_422, %dma_wait3A] : memref<32x16xi32, #tpu.memory_space<vmem>> -> memref<1x16xi32, #tpu.memory_space<vmem>>
        %dma_wait3A_438 = tpu.memref_squeeze %dma_wait3A_437 : memref<1x16xi32, #tpu.memory_space<vmem>> -> memref<16xi32, #tpu.memory_space<vmem>>
        %dma_wait3A_439 = arith.constant 0 : i32
        %dma_wait3A_440 = arith.constant 0 : i32
        %dma_wait3A_441 = tpu.memref_slice %arg9[%dma_wait3A_439, %dma_wait3A_440] : memref<16384x384xf32, #tpu.memory_space<hbm>> -> memref<16384x384xf32, #tpu.memory_space<hbm>>
        tpu.wait_indirect_dma semaphore(%arg17 : memref<!tpu.dma_semaphore, #tpu.memory_space<semaphore_mem>>) src(%arg14 : memref<16x384xf32, #tpu.memory_space<vmem>>) dst(%dma_wait3A_441 : memref<16384x384xf32, #tpu.memory_space<hbm>>)
      } else {
      }
      scf.yield %min3A_125, %select_n3A_129 : i32, i32
    }
    %scan3A_92 = arith.constant 512 : i32
    return
  }
}

module attributes {stable_mosaic.version = 14 : i64} {
  func.func @_tc_finish_body(%arg0: i32, %arg1: memref<2048x384xf32, #tpu.memory_space<vmem>>, %arg2: memref<2048x384xf32, #tpu.memory_space<vmem>>, %arg3: memref<1x1xf32, #tpu.memory_space<vmem>>) attributes {dimension_semantics = [#tpu.dimension_semantics<arbitrary>], iteration_bounds = array<i64: 8>, scalar_prefetch = 0 : i64, scratch_operands = 0 : i64, tpu.core_type = #tpu.core_type<tc>, window_params = [{transform_indices = @transform_0, window_bounds = array<i64: 2048, 384>}, {transform_indices = @transform_1, window_bounds = array<i64: 2048, 384>}, {pipeline_mode = #tpu.pipeline_mode<synchronous>, transform_indices = @transform_2, window_bounds = array<i64: 1, 1>}]} {
    %iota3A = tpu.iota {dimensions = array<i32: 1>} : vector<1x384xi32>
    %lt3A = arith.constant 300 : i32
    %lt3A_0 = vector.broadcast %lt3A : i32 to vector<1x384xi32>
    %lt3A_1 = arith.cmpi slt, %iota3A, %lt3A_0 : vector<1x384xi32>
    %convert_element_type3A = arith.extui %lt3A_1 : vector<1x384xi1> to vector<1x384xi32>
    %convert_element_type3A_2 = arith.sitofp %convert_element_type3A : vector<1x384xi32> to vector<1x384xf32>
    %get3A = arith.constant 0 : index
    %get3A_3 = arith.constant 0 : index
    %get3A_4 = vector.load %arg1[%get3A, %get3A_3] : memref<2048x384xf32, #tpu.memory_space<vmem>>, vector<2048x384xf32>
    %mul3A = vector.broadcast %convert_element_type3A_2 : vector<1x384xf32> to vector<2048x384xf32>
    %mul3A_5 = arith.mulf %get3A_4, %mul3A : vector<2048x384xf32>
    %get3A_6 = arith.constant 0 : index
    %get3A_7 = arith.constant 0 : index
    %get3A_8 = vector.load %arg2[%get3A_6, %get3A_7] : memref<2048x384xf32, #tpu.memory_space<vmem>>, vector<2048x384xf32>
    %mul3A_9 = vector.broadcast %convert_element_type3A_2 : vector<1x384xf32> to vector<2048x384xf32>
    %mul3A_10 = arith.mulf %get3A_8, %mul3A_9 : vector<2048x384xf32>
    %mul3A_11 = arith.mulf %mul3A_5, %mul3A_10 : vector<2048x384xf32>
    %reduce_sum3A = arith.constant dense<0.000000e+00> : vector<2048xf32>
    %reduce_sum3A_12 = vector.multi_reduction <add>, %mul3A_11, %reduce_sum3A [1] : vector<2048x384xf32> to vector<2048xf32>
    %mul3A_13 = arith.mulf %mul3A_5, %mul3A_5 : vector<2048x384xf32>
    %reduce_sum3A_14 = arith.constant dense<0.000000e+00> : vector<2048xf32>
    %reduce_sum3A_15 = vector.multi_reduction <add>, %mul3A_13, %reduce_sum3A_14 [1] : vector<2048x384xf32> to vector<2048xf32>
    %mul3A_16 = arith.mulf %mul3A_10, %mul3A_10 : vector<2048x384xf32>
    %reduce_sum3A_17 = arith.constant dense<0.000000e+00> : vector<2048xf32>
    %reduce_sum3A_18 = vector.multi_reduction <add>, %mul3A_16, %reduce_sum3A_17 [1] : vector<2048x384xf32> to vector<2048xf32>
    %sqrt3A = math.sqrt %reduce_sum3A_15 : vector<2048xf32>
    %max3A = arith.constant 1.000000e-07 : f32
    %max3A_19 = vector.broadcast %max3A : f32 to vector<2048xf32>
    %max3A_20 = arith.maximumf %sqrt3A, %max3A_19 : vector<2048xf32>
    %div3A = arith.constant 1.000000e+00 : f32
    %div3A_21 = vector.broadcast %div3A : f32 to vector<2048xf32>
    %div3A_22 = arith.divf %div3A_21, %max3A_20 : vector<2048xf32>
    %min3A = arith.constant 1.000000e+00 : f32
    %min3A_23 = vector.broadcast %min3A : f32 to vector<2048xf32>
    %min3A_24 = arith.minimumf %min3A_23, %div3A_22 : vector<2048xf32>
    %sqrt3A_25 = math.sqrt %reduce_sum3A_18 : vector<2048xf32>
    %max3A_26 = arith.constant 1.000000e-07 : f32
    %max3A_27 = vector.broadcast %max3A_26 : f32 to vector<2048xf32>
    %max3A_28 = arith.maximumf %sqrt3A_25, %max3A_27 : vector<2048xf32>
    %div3A_29 = arith.constant 1.000000e+00 : f32
    %div3A_30 = vector.broadcast %div3A_29 : f32 to vector<2048xf32>
    %div3A_31 = arith.divf %div3A_30, %max3A_28 : vector<2048xf32>
    %min3A_32 = arith.constant 1.000000e+00 : f32
    %min3A_33 = vector.broadcast %min3A_32 : f32 to vector<2048xf32>
    %min3A_34 = arith.minimumf %min3A_33, %div3A_31 : vector<2048xf32>
    %mul3A_35 = arith.mulf %reduce_sum3A_12, %min3A_24 : vector<2048xf32>
    %mul3A_36 = arith.mulf %mul3A_35, %min3A_34 : vector<2048xf32>
    %neg3A = arith.constant 0.000000e+00 : f32
    %neg3A_37 = vector.broadcast %neg3A : f32 to vector<2048xf32>
    %neg3A_38 = arith.subf %neg3A_37, %mul3A_36 : vector<2048xf32>
    %custom_jvp_call3A = arith.constant 0.000000e+00 : f32
    %max3A_39 = vector.broadcast %custom_jvp_call3A : f32 to vector<2048xf32>
    %max3A_40 = arith.maximumf %neg3A_38, %max3A_39 : vector<2048xf32>
    %sub3A = vector.broadcast %custom_jvp_call3A : f32 to vector<2048xf32>
    %sub3A_41 = arith.subf %neg3A_38, %sub3A : vector<2048xf32>
    %ne3A = arith.cmpf one, %sub3A_41, %sub3A_41 : vector<2048xf32>
    %add3A = vector.broadcast %custom_jvp_call3A : f32 to vector<2048xf32>
    %add3A_42 = arith.addf %neg3A_38, %add3A : vector<2048xf32>
    %abs3A = math.absf %sub3A_41 : vector<2048xf32>
    %neg3A_43 = arith.constant 0.000000e+00 : f32
    %neg3A_44 = vector.broadcast %neg3A_43 : f32 to vector<2048xf32>
    %neg3A_45 = arith.subf %neg3A_44, %abs3A : vector<2048xf32>
    %exp3A = math.exp %neg3A_45 : vector<2048xf32>
    %log1p3A = math.log1p %exp3A : vector<2048xf32>
    %add3A_46 = arith.addf %max3A_40, %log1p3A : vector<2048xf32>
    %select_n3A = arith.select %ne3A, %add3A_42, %add3A_46 : vector<2048xi1>, vector<2048xf32>
    %neg3A_47 = arith.constant 0.000000e+00 : f32
    %neg3A_48 = vector.broadcast %neg3A_47 : f32 to vector<2048xf32>
    %neg3A_49 = arith.subf %neg3A_48, %select_n3A : vector<2048xf32>
    %reduce_sum3A_50 = vector.shape_cast %neg3A_49 : vector<2048xf32> to vector<1x2048xf32>
    %reduce_sum3A_51 = arith.constant dense<0.000000e+00> : vector<1xf32>
    %reduce_sum3A_52 = vector.multi_reduction <add>, %reduce_sum3A_50, %reduce_sum3A_51 [1] : vector<1x2048xf32> to vector<1xf32>
    %reduce_sum3A_53 = vector.shape_cast %reduce_sum3A_52 : vector<1xf32> to vector<1x1xf32>
    %reduce_sum3A_54 = vector.extract %reduce_sum3A_53[0, 0] : f32 from vector<1x1xf32>
    %neg3A_55 = arith.constant 0.000000e+00 : f32
    %neg3A_56 = arith.subf %neg3A_55, %reduce_sum3A_54 : f32
    %div3A_57 = arith.constant 1.638400e+04 : f32
    %div3A_58 = arith.divf %neg3A_56, %div3A_57 : f32
    %broadcast_in_dim3A = vector.broadcast %div3A_58 : f32 to vector<1x1xf32>
    %eq3A = arith.constant 0 : i32
    %eq3A_59 = arith.cmpi eq, %arg0, %eq3A : i32
    %convert_element_type3A_60 = arith.extui %eq3A_59 : i1 to i32
    %cond3A = arith.constant 0 : i32
    %cond3A_61 = arith.cmpi ne, %convert_element_type3A_60, %cond3A : i32
    scf.if %cond3A_61 {
      %broadcast_in_dim3A_68 = arith.constant 0.000000e+00 : f32
      %broadcast_in_dim3A_69 = vector.broadcast %broadcast_in_dim3A_68 : f32 to vector<1x1xf32>
      %swap3A_70 = arith.constant 0 : index
      %swap3A_71 = arith.constant 0 : index
      %swap3A_72 = vector.load %arg3[%swap3A_70, %swap3A_71] : memref<1x1xf32, #tpu.memory_space<vmem>>, vector<1x1xf32>
      tpu.vector_store %arg3[%swap3A_70, %swap3A_71], %broadcast_in_dim3A_69 {strides = array<i32>} : memref<1x1xf32, #tpu.memory_space<vmem>>, vector<1x1xf32>,
    } else {
    }
    %get3A_62 = arith.constant 0 : index
    %get3A_63 = arith.constant 0 : index
    %get3A_64 = vector.load %arg3[%get3A_62, %get3A_63] : memref<1x1xf32, #tpu.memory_space<vmem>>, vector<1x1xf32>
    %add3A_65 = arith.addf %get3A_64, %broadcast_in_dim3A : vector<1x1xf32>
    %swap3A = arith.constant 0 : index
    %swap3A_66 = arith.constant 0 : index
    %swap3A_67 = vector.load %arg3[%swap3A, %swap3A_66] : memref<1x1xf32, #tpu.memory_space<vmem>>, vector<1x1xf32>
    tpu.vector_store %arg3[%swap3A, %swap3A_66], %add3A_65 {strides = array<i32>} : memref<1x1xf32, #tpu.memory_space<vmem>>, vector<1x1xf32>,
    return
  }
  func.func @transform_0(%arg0: i32) -> (i32, i32) {
    %c0_i32 = arith.constant 0 : i32
    %c0_i32_0 = arith.constant 0 : i32
    return %arg0, %c0_i32 : i32, i32
  }
  func.func @transform_1(%arg0: i32) -> (i32, i32) {
    %c0_i32 = arith.constant 0 : i32
    %c0_i32_0 = arith.constant 0 : i32
    return %arg0, %c0_i32 : i32, i32
  }
  func.func @transform_2(%arg0: i32) -> (i32, i32) {
    %c0_i32 = arith.constant 0 : i32
    %c0_i32_0 = arith.constant 0 : i32
    %c0_i32_1 = arith.constant 0 : i32
    return %c0_i32, %c0_i32_0 : i32, i32
  }
}

</mosaic_0001>

<sc_bundles>
// kernel: kernel.4.cloned.1.call-start
scs
__scs_entry_jumppad:
0x0: {  	(pc) =	sbr.rel $0x88, $3  }
0x1: {  	(tag) =	ssettag $0x0;
	lr =	simm.s32 $0x1  }
0x2: {  	[smem:$0x3F9D] =	sst lr;
	_ =	strace $0xD0000000  }
0x3: {  	_ = 	snop  }
0x4: {  	_ = 	snop  }
0x5: {  	_ = 	snop  }
0x6: {  	_ = 	snop  }
0x7: {  	_ = 	snop  }
__scs_overlays_trampoline_lowered:
0x8: {  	[smem:$0x3FAC] =	sst s0  }
0x9: {  	[smem:$0x3FAD] =	sst s1  }
0xa: {  	[smem:$0x3FAE] =	sst s2  }
0xb: {  	[smem:$0x3FAF] =	sst s3  }
0xc: {  	[smem:$0x3FB0] =	sst s4  }
0xd: {  	[smem:$0x3FB1] =	sst s5  }
0xe: {  	[smem:$0x3FB2] =	sst s6  }
0xf: {  	[smem:$0x3FB3] =	sst s7  }
0x10: {  	[smem:$0x3FB4] =	sst s8  }
0x11: {  	[smem:$0x3FB5] =	sst s9;
	s0 =	simm.s32 @!p0 $0x0  }
0x12: {  	s1 =	sld [smem:$0x3F9B];
	s0 =	simm.s32 @p0 $0x1  }
0x13: {  	[smem:$0x3FB6] =	sst s0;
	s0 =	simm.s32 @!p1 $0x0  }
0x14: {  	s2 =	sld [smem:$0x3F9A];
	s0 =	simm.s32 @p1 $0x1  }
0x15: {  	[smem:$0x3FB7] =	sst s0;
	s0 =	simm.s32 @!p2 $0x0  }
0x16: {  	s3 =	sld [smem:$0x3FDB];
	s0 =	simm.s32 @p2 $0x1  }
0x17: {  	s4 =	simm.s32 $0x1BF5;
	[smem:$0x3FB9] =	sst s0  }
0x18: {  	s0 =	sld [smem:$0x3F9C];
	_ =	swait.ge [sflag:s4], $0x0  }
0x19: {  	s7 =	sld [smem:$0x3F9D]  }
0x1a: {  	s8 =	sadd.s32 $0xFFFFE003, lr  }
0x1b: {  	s9 =	sadd.s32 $0xFFFFFEF7, lr;
	s5 =	simm.s32 $0xFFFFFFFF;
	p2 =	slt.u32 s8, $0xFFFFF086  }
0x1c: {  	p1 =	slt.u32 s9, $0xF7A;
	s5 =	simm.s32 @!p2 $0x0  }
0x1d: {  	s5 =	simm.s32 @p1 $0x1;
	p0 =	seq.s32 s7, s2  }
0x1e: {  	s7 =	smul.u32 @!p0 $0xF7A, s2;
	p2 =	seq.s32 @!p0 s5, $0x0  }
0x1f: {  	s9 =	smul.u32 $0xF7A, s1;
	s8 =	simm.s32 @!p0 $0x1BF5;
	p2 =	por !p2, p0  }
0x20: {  	[sflag:s8] =	ssyncset.s32 @!p0 $0xFFFFF086;
	s6 =	sadd.s32 @!p0 s3, s7;
	s7 =	simm.s32 @!p0 $0x108  }
0x21: {  	s3 =	sadd.s32 s3, s9;
	s6 =	sadd.s32 @!p0 $0x88, s6;
	s7 =	simm.s32 @p2 $0x1082  }
0x22: {  	[simem:s7], [sflag:s8] =	dma.local @!p0 [hbm:s6], $0xF7A  }
0x23: {  	s9 =	sor.u32 $0xD0000000, s2;
	s6 =	simm.s32 $0x108;
	_ =	swait.ge @!p0 [sflag:s8], $0x0  }
0x24: {  	s3 =	sadd.s32 $0x88, s3;
	s6 =	simm.s32 @!p1 $0x1082;
	[sflag:s4] =	ssyncset.s32 $0xFFFFF086  }
0x25: {  	[simem:s6], [sflag:s4] =	dma.local [hbm:s3], $0xF7A  }
0x26: {  	[smem:$0x3F9D] =	sst s1;
	(tag) =	ssettag s2;
	_ =	strace s9  }
0x27: {  	s1 =	sld [smem:$0x3FAD]  }
0x28: {  	s2 =	sld [smem:$0x3FAE]  }
0x29: {  	s4 =	sld [smem:$0x3FB0]  }
0x2a: {  	p0 =	seq.s32 s5, $0x0;
	s5 =	sld [smem:$0x3FB1]  }
0x2b: {  	s6 =	sld [smem:$0x3FB2]  }
0x2c: {  	s7 =	sld [smem:$0x3FB3]  }
0x2d: {  	s3 =	simm.s32 $0x108;
	s8 =	sld [smem:$0x3FB4]  }
0x2e: {  	s3 =	simm.s32 @!p0 $0x1082;
	s9 =	sld [smem:$0x3FB5]  }
0x2f: {  	lr =	sadd.s32 s0, s3;
	s0 =	sld [smem:$0x3FAC]  }
0x30: {  	s3 =	sld [smem:$0x3FAF]  }
0x31: {  	[smem:$0x3FB8] =	sst s10  }
0x32: {  	s10 =	sld [smem:$0x3FB6];
	_ =	sdelay $0x3  }
0x33: {  	p0 =	seq.s32 s10, $0x1;
	s10 =	sld [smem:$0x3FB8];
	_ =	sdelay $0x3  }
0x34: {  	[smem:$0x3FB8] =	sst s10  }
0x35: {  	s10 =	sld [smem:$0x3FB7];
	_ =	sdelay $0x3  }
0x36: {  	p1 =	seq.s32 s10, $0x1;
	s10 =	sld [smem:$0x3FB8];
	_ =	sdelay $0x3  }
0x37: {  	[smem:$0x3FB8] =	sst s10  }
0x38: {  	s10 =	sld [smem:$0x3FB9]  }
0x39: {  	_ = 	snop;
	(pc) =	sbr.ind lr, $3  }
0x3a: {  	_ = 	snop  }
0x3b: {  	_ = 	snop  }
0x3c: {  	p2 =	seq.s32 s10, $0x1;
	s10 =	sld [smem:$0x3FB8]  }
0x3d: {  	_ =	shalt  }
0x3e: {  	_ =	shalt  }
0x3f: {  	_ =	shalt  }
0x40: {  	_ =	shalt  }
0x41: {  	_ =	shalt  }
0x42: {  	_ =	shalt  }
0x43: {  	_ =	shalt  }
0x44: {  	_ =	shalt  }
0x45: {  	_ =	shalt  }
0x46: {  	_ =	shalt  }
0x47: {  	_ =	shalt  }
0x48: {  	_ =	shalt  }
0x49: {  	_ =	shalt  }
0x4a: {  	_ =	shalt  }
0x4b: {  	_ =	shalt  }
0x4c: {  	_ =	shalt  }
0x4d: {  	_ =	shalt  }
0x4e: {  	_ =	shalt  }
0x4f: {  	_ =	shalt  }
0x50: {  	_ =	shalt  }
0x51: {  	_ =	shalt  }
0x52: {  	_ =	shalt  }
0x53: {  	_ =	shalt  }
0x54: {  	_ =	shalt  }
0x55: {  	_ =	shalt  }
0x56: {  	_ =	shalt  }
0x57: {  	_ =	shalt  }
0x58: {  	_ =	shalt  }
0x59: {  	_ =	shalt  }
0x5a: {  	_ =	shalt  }
0x5b: {  	_ =	shalt  }
0x5c: {  	_ =	shalt  }
0x5d: {  	_ =	shalt  }
0x5e: {  	_ =	shalt  }
0x5f: {  	_ =	shalt  }
0x60: {  	_ =	shalt  }
0x61: {  	_ =	shalt  }
0x62: {  	_ =	shalt  }
0x63: {  	_ =	shalt  }
0x64: {  	_ =	shalt  }
0x65: {  	_ =	shalt  }
0x66: {  	_ =	shalt  }
0x67: {  	_ =	shalt  }
0x68: {  	_ =	shalt  }
0x69: {  	_ =	shalt  }
0x6a: {  	_ =	shalt  }
0x6b: {  	_ =	shalt  }
0x6c: {  	_ =	shalt  }
0x6d: {  	_ =	shalt  }
0x6e: {  	_ =	shalt  }
0x6f: {  	_ =	shalt  }
0x70: {  	_ =	shalt  }
0x71: {  	_ =	shalt  }
0x72: {  	_ =	shalt  }
0x73: {  	_ =	shalt  }
0x74: {  	_ =	shalt  }
0x75: {  	_ =	shalt  }
0x76: {  	_ =	shalt  }
0x77: {  	_ =	shalt  }
0x78: {  	_ =	shalt  }
0x79: {  	_ =	shalt  }
0x7a: {  	_ =	shalt  }
0x7b: {  	_ =	shalt  }
0x7c: {  	_ =	shalt  }
0x7d: {  	_ =	shalt  }
0x7e: {  	_ =	shalt  }
0x7f: {  	_ =	shalt  }
0x80: {  	_ =	shalt  }
0x81: {  	_ =	shalt  }
0x82: {  	_ =	shalt  }
0x83: {  	_ =	shalt  }
0x84: {  	_ =	shalt  }
0x85: {  	_ =	shalt  }
0x86: {  	_ =	shalt  }
0x87: {  	_ =	shalt  }
.Lfunc_end0:
.L_simem_size_0:
called_computation_lowered:
.L_overlay_start_0:
0x88: {  	s2 =	sld [smem:$0x3FD9]  }
0x89: {  	s3 =	sld [smem:$0x3FFE];
	_ =	sdelay $0x1  }
0x8a: {  	s1 =	srdreg.scid  }
0x8b: {  	s0 =	sand.u32 $0x1, s1  }
0x8c: {  	s17 =	sshll.u32 s0, $0xA;
	s2 =	sadd.s32 s3, s2  }
0x8d: {  	s2 =	sadd.s32 s2, s17  }
0x8e: {  	[smem:$0x3FC4] =	sst s2  }
0x8f: {  	_ = 	snop  }
0x90: {  	s2 =	sld [smem:$0x3FC7]  }
0x91: {  	s18 =	sld [smem:$0x3FC6];
	(tm) =	ssettm $0x1  }
0x92: {  	s4 =	sld [smem:$0x3FFB];
	_ =	sdelay $0x3  }
0x93: {  	_ =	strace s4  }
0x94: {  	s4 =	sld [smem:$0x3FFC];
	_ =	sdelay $0x3  }
0x95: {  	_ =	strace s4  }
0x96: {  	s4 =	sld [smem:$0x3FFD];
	_ =	sdelay $0x3  }
0x97: {  	_ =	strace s4  }
0x98: {  	_ =	strace $0x8FFFFFFF  }
0x99: {  	s19 =	sld [smem:$0x3FDB];
	_ =	sdelay $0x1  }
0x9a: {  	s5 =	simm.s32 $_scs_section_size  }
0x9b: {  	s6 =	simm.s32 $_size__tile_overlayer_lowered;
	s7 =	simm.s32 $_tile_overlayer_lowered  }
0x9c: {  	s22 =	simm.s32 $0x1BFF;
	s21 =	sshll.u32 s7, $0x1;
	s4 =	sadd.s32 s5, s19  }
0x9d: {  	s8 =	simm.s32 $0x0;
	s20 =	sshll.u32 s6, $0x1;
	s6 =	sadd.s32 s21, s4  }
0x9e: {  	[timem:s8], [sflag:s22] =	dma.local [hbm:s6], s20  }
0x9f: {  	_ =	swait.ge [sflag:s22], s20  }
0xa0: {  	s5 =	ssub.s32 $0x0, s20;
	[sflag:s22] =	ssyncset.done $0x0  }
0xa1: {  	[sflag:s22] =	ssyncadd.s32 s5;
	_ =	sdelay $0x1  }
0xa2: {  	s23 =	simm.s32 $0x1B8B  }
0xa3: {  	_ =	swait.ge [sflag:s23], $0x1  }
0xa4: {  	[sflag:s23] =	ssyncset.done $0x0  }
0xa5: {  	s25 =	simm.s32 $0x1B8E;
	s24 =	sld [smem:$0x3FFE];
	[sflag:s23] =	ssyncadd.s32 $0xFFFFFFFF  }
0xa6: {  	s26 =	simm.s32 $execute0_lowered;
	[smem:$0x3FD2] =	sst s25  }
0xa7: {  	s6 =	sshll.u32 s26, $0x1;
	_ =	strace $0x80000046;
	[dreg:$0x1] =	wrdreg $0xFFFFFFFF  }
0xa8: {  	s28 =	simm.s32 $_size_execute0_lowered;
	s4 =	sadd.s32 s4, s6;
	[dreg:$0x0] =	wrdreg $0x0  }
0xa9: {  	s6 =	sshll.u32 s28, $0x1;
	[dreg:$0x2] =	wrdreg s4  }
0xaa: {  	[dreg:$0x3] =	wrdreg s6  }
0xab: {  	[dreg:$0x4] =	wrdreg $0xC0  }
0xac: {  	_ =	task [dreg:s8], $0x5FFFF  }
0xad: {  	[dreg:$0x1] =	wrdreg $0xFFFFFFFF  }
0xae: {  	[dreg:$0x0] =	wrdreg $0x60  }
0xaf: {  	[dreg:$0x2] =	wrdreg s24  }
0xb0: {  	[dreg:$0x3] =	wrdreg s2  }
0xb1: {  	[dreg:$0x4] =	wrdreg s18  }
0xb2: {  	[dreg:$0x5] =	wrdreg $0x9  }
0xb3: {  	_ =	task.clear_ibuf [dreg:s8], $0x6FFFF;
	_ =	strace $0x90000046  }
0xb4: {  	s29 =	simm.s32 $0x9;
	_ =	strace $0x80000048  }
0xb5: {  	_ =	swait.ge [sflag:s29], $0x1  }
0xb6: {  	[sflag:s29] =	ssyncadd.s32 $0xFFFFFFFF  }
0xb7: {  	_ =	strace $0x90000048  }
0xb8: {  	_ =	sfence  }
0xb9: {  	s30 =	sld [smem:$0x0];
	_ =	sdelay $0x2  }
0xba: {  	s31 =	sshll.u32 s1, $0xD;
	s1 =	sshrl.u32 s1, $0x2  }
0xbb: {  	s3 =	sand.u32 $0x4000, s31;
	s1 =	sadd.s32 s1, s30  }
0xbc: {  	s0 =	sor.u32 s3, s0;
	s1 =	sshll.u32 s1, $0x11  }
0xbd: {  	s0 =	sor.u32 s1, s0  }
0xbe: {  	s0 =	sadd.s32 $0x8F2B, s0  }
0xbf: {  	[sflag:s0] =	ssyncadd.remote.s32 $0x1  }
0xc0: {  	_ =	sfence.sel $0xFFFF  }
0xc1: {  	[dreg:$0x0] =	wrdreg $0xFFFFFFFF;
	(pc) =	sbr.abs _section_cstart, $3  }
0xc2: {  	[dreg:$0x1] =	wrdreg $0xFFFFFFFF  }
0xc3: {  	_ =	task.clear_ibuf [dreg:s8], $0x2FFFF;
	_ =	strace $0x9FFFFFFF  }
0xc4: {  	(tm) =	ssettm $0x7FFFFFFF  }
0xc5: {  	_ =	shalt  }
tec
execute0_lowered:
.L_overlay_start_1:
0x0: {  	(tag) =	ssettag $0x1  }
0x1: {  	v0 =	vimm.s32 $0x9580;
	vm0 =	vcmask $0x300  }
0x2: {  	vm6 =	vcmask $0x704;
	v0 =	vsel vm0, $0x9000, v0  }
0x3: {  	vm7 =	vcmask $0xB08;
	v0 =	vsel vm6, $0x9080, v0  }
0x4: {  	vm8 =	vcmask $0xF0C;
	v0 =	vsel vm7, $0x9100, v0  }
0x5: {  	s12 =	rddreg [dreg:$0x0];
	vm9 =	vcmask $0x1310;
	v0 =	vsel vm8, $0x9180, v0  }
0x6: {  	s1 =	rddreg [dreg:$0x1];
	vm10 =	vcmask $0x1714;
	v0 =	vsel vm9, $0x9200, v0  }
0x7: {  	s2 =	rddreg [dreg:$0x2];
	s4 =	simm.s32 $0x0;
	vm11 =	vcmask $0x1B18;
	v1 =	vsel vm10, $0x9280, v0  }
0x8: {  	s5 =	srdreg.scid;
	s0 =	stileid.u32;
	vm12 =	vcmask $0x1F1C;
	v2 =	vlaneseq.u32;
	s14 =	simm.s32 $0x400;
	v1 =	vsel vm11, $0x9300, v1  }
0x9: {  	vm13 =	vcmask $0x2320;
	vm14 =	vcmask $0x2724;
	s15 =	simm.s32 $0x80;
	s16 =	simm.s32 $0x3;
	s19 =	simm.s32 $0x780;
	v3 =	vsel vm12, $0x9380, v1  }
0xa: {  	vm15 =	vcmask $0x2B28;
	s20 =	simm.s32 $0x9B80;
	s21 =	simm.s32 $0x0;
	[smem:$0x7FF] =	sst s4;
	v1 =	vmul.u32 $0x80, v2;
	v3 =	vsel vm13, $0x9400, v3  }
0xb: {  	s6 =	sand.u32 $0x1, s5;
	s30 =	sshll.u32 s0, $0x5;
	s7 =	sshll.u32 s0, $0x7;
	v0 =	vimm.s32 $0x0;
	v2 =	vmul.u32 $0xFFFFFFFF, v2;
	v3 =	vsel vm14, $0x9480, v3  }
0xc: {  	s10 =	sadd.s32 $0x2100, s12;
	s8 =	sshll.u32 s6, $0x4;
	s5 =	sand.u32 $0x60, s30;
	v4 =	vor.u32 $0x8800, v1;
	v5 =	vor.u32 $0x8000, v1;
	v6 =	vor.u32 $0x7800, v1  }
0xd: {  	_ =	strace $0x80000047;
	s7 =	sand.u32 $0x600, s7;
	s9 =	ssub.s32 $0x2, s6;
	v7 =	vor.u32 $0x7000, v1;
	v8 =	vor.u32 $0x6800, v1;
	v9 =	vor.u32 $0x6000, v1  }
0xe: {  	s6 =	sadd.s32 $0xC2000, s12;
	s8 =	sor.u32 s8, s5;
	s31 =	sshrl.u32 s9, $0x1;
	v10 =	vor.u32 $0x5800, v1;
	v11 =	vor.u32 $0x5000, v1;
	v12 =	vor.u32 $0x4800, v1  }
0xf: {  	s5 =	sadd.s32 $0x2000, s12;
	s7 =	sor.u32 s7, s8;
	s13 =	ssub.s32 s9, s31;
	v13 =	vor.u32 $0x4000, v1;
	v14 =	vor.u32 $0x3800, v1;
	v15 =	vor.u32 $0x3000, v1  }
0x10: {  	s7 =	sadd.s32 s12, s7;
	s12 =	sadd.s32 $0xC2100, s12;
	s13 =	smax.u32 s13, $0x1;
	v16 =	vor.u32 $0x2800, v1;
	v17 =	vor.u32 $0x2000, v1;
	v18 =	vor.u32 $0x1800, v1  }
0x11: {  	s8 =	sadd.s32 $0x1000, s7;
	s9 =	sadd.s32 $0x1800, s7;
	s11 =	sadd.s32 $0x800, s7;
	v19 =	vor.u32 $0x1000, v1;
	v20 =	vor.u32 $0x800, v1;
	v3 =	vsel vm15, $0x9500, v3  }
.LBB2_1:
0x12: {  	[tilespmem:s15], [sflag:$0x3] =	stream.strided.gather [hbm4b:s8+s15], $0x200, s14, s15, $0x38;
	[tilespmem:$0x1F780] =	vst v63  }
0x13: {  	_ =	swait.ge [sflag:s16], $0x200  }
0x14: {  	[sflag:s16] =	ssyncset.done $0x0  }
0x15: {  	s0 =	simm.s32 $0x300;
	[sflag:s16] =	ssyncadd.s32 $0xFFFFFE00  }
0x16: {  	[tilespmem:s0], [sflag:$0x3] =	stream.strided.gather [hbm4b:s9+s15], $0x200, s14, s15, $0x38;
	[tilespmem:$0x1F780] =	vst v63  }
0x17: {  	_ =	swait.ge [sflag:s16], $0x200  }
0x18: {  	[sflag:s16] =	ssyncset.done $0x0  }
0x19: {  	s22 =	simm.s32 $0x7F;
	[sflag:s16] =	ssyncadd.s32 $0xFFFFFE00  }
0x1a: {  	s31 =	sand.u32 $0x1F0, s4;
	v21 =	vld [tilespmem:s22+$0x0]  }
0x1b: {  	v22 =	vld [tilespmem:s31+$0x80];
	_ =	sdelay $0x3  }
0x1c: {  	v23 =	vshra.s32 v21, $0x1F;
	v24 =	vand.u32 $0x7F, v21;
	vm0 =	vlt.s32 v21, $0x1  }
0x1d: {  	v62 =	vand.u32 $0x7F, v22;
	vm12 =	vlt.s32 v22, $0x1;
	v23 =	vshrl.u32 v23, $0x19  }
0x1e: {  	vm1 =	vne.s32 v24, $0x0;
	v23 =	vadd.s32 v23, v21;
	v21 =	vshra.s32 v22, $0x1F  }
0x1f: {  	vm2 =	vne.s32 v62, $0x0;
	vm0 =	vmand vm0, vm1;
	v21 =	vshrl.u32 v21, $0x19  }
0x20: {  	vm1 =	vmand vm12, vm2;
	v63 =	vsel vm0, $0xFFFFFFFF, v0;
	v21 =	vadd.s32 v21, v22  }
0x21: {  	v22 =	vshrl.u32 v23, $0x7;
	v23 =	vsel vm1, $0xFFFFFFFF, v0;
	v21 =	vshrl.u32 v21, $0x7  }
0x22: {  	v22 =	vadd.s32 v63, v22;
	v21 =	vadd.s32 v23, v21  }
0x23: {  	v22 =	vshll.u32 v22, $0x7;
	v21 =	vshll.u32 v21, $0x7  }
0x24: {  	vm14 =	vlt.s32 v22, $0xF41C0;
	vm13 =	vlt.s32 v21, $0xF41C0  }
0x25: {  	v23 =	vmov s4;
	v22 =	vnsel vm14, $0xF41C0, v22;
	v21 =	vnsel vm13, $0xF41C0, v21  }
0x26: {  	vm15 =	veq.s32 v23, v2;
	vm0 =	vne.s32 v21, v22  }
0x27: {  	vm0 =	vmor vm15, vm0  }
0x28: {  	s24 =	simm.s32 $0x8F;
	v22 =	vmpcnt.ones.xlane vm0;
	[tilespmem:s4+$0x500] =	vst.msk vm0, v21  }
0x29: {  	v21 =	vld [tilespmem:s24+$0x0]  }
0x2a: {  	s25 =	simm.s32 $0x10;
	s26 =	simm.s32 $0x2;
	(v2sf) =	vpush v22, $0x0  }
0x2b: {  	s23 =	simm.s32 $0x0;
	s28 =	sand.u32 $0x1F0, s25;
	s22 =	simm.s32 $0x1  }
.LBB2_2:
0x2c: {  	p0 =	sne.s32 s26, $0x1F;
	v22 =	vld [tilespmem:s28+$0x80];
	_ =	sdelay $0x1  }
0x2d: {  	v23 =	vshra.s32 v21, $0x1F  }
0x2e: {  	v24 =	vand.u32 $0x7F, v21;
	v23 =	vshrl.u32 v23, $0x19  }
0x2f: {  	vm0 =	vlt.s32 v21, $0x1;
	vm1 =	vne.s32 v24, $0x0;
	v23 =	vadd.s32 v23, v21  }
0x30: {  	vm0 =	vmand vm0, vm1;
	v21 =	vshra.s32 v22, $0x1F;
	v24 =	vand.u32 $0x7F, v22  }
0x31: {  	vm1 =	vlt.s32 v22, $0x1;
	v21 =	vshrl.u32 v21, $0x19;
	vm2 =	vne.s32 v24, $0x0  }
0x32: {  	v21 =	vadd.s32 v21, v22;
	vm1 =	vmand vm1, vm2;
	v22 =	vshrl.u32 v23, $0x7  }
0x33: {  	v24 =	vsel vm0, $0xFFFFFFFF, v0;
	v21 =	vshrl.u32 v21, $0x7;
	v23 =	vsel vm1, $0xFFFFFFFF, v0  }
0x34: {  	v22 =	vadd.s32 v24, v22;
	v21 =	vadd.s32 v23, v21  }
0x35: {  	v22 =	vshll.u32 v22, $0x7;
	v21 =	vshll.u32 v21, $0x7  }
0x36: {  	vm1 =	vlt.s32 v22, $0xF41C0;
	vm0 =	vlt.s32 v21, $0xF41C0  }
0x37: {  	v23 =	vmov s22;
	s22 =	smov.u32 s26;
	v22 =	vnsel vm1, $0xF41C0, v22;
	v21 =	vnsel vm0, $0xF41C0, v21  }
0x38: {  	vm1 =	veq.s32 v23, v2;
	vm0 =	vne.s32 v21, v22;
	s28 =	spop (v2sf)  }
.Ltmp0:
0x39: {  	vm0 =	vmor vm1, vm0;
	s23 =	sadd.s32 s23, s28;
	(pc) =	sbr.rel @p0 .LBB2_2-.Ltmp0, $4  }
0x3a: {  	s24 =	sadd.s32 $0x10, s24;
	[tilespmem:s23+$0x500] =	vst.msk vm0, v21;
	v22 =	vmpcnt.ones.xlane vm0  }
0x3b: {  	v21 =	vld [tilespmem:s24+$0x0]  }
0x3c: {  	s25 =	sadd.s32 $0x10, s25;
	(v2sf) =	vpush v22, $0x0  }
0x3d: {  	s26 =	sadd.s32 $0x1, s26;
	s28 =	sand.u32 $0x1F0, s25  }
0x3e: {  	v22 =	vld [tilespmem:s28+$0x80];
	_ =	sdelay $0x1  }
0x3f: {  	v23 =	vshra.s32 v21, $0x1F  }
0x40: {  	v24 =	vand.u32 $0x7F, v21;
	v23 =	vshrl.u32 v23, $0x19  }
0x41: {  	vm0 =	vlt.s32 v21, $0x1;
	vm1 =	vne.s32 v24, $0x0;
	v23 =	vadd.s32 v23, v21  }
0x42: {  	vm0 =	vmand vm0, vm1;
	v21 =	vshra.s32 v22, $0x1F;
	v30 =	vand.u32 $0x7F, v22  }
0x43: {  	vm12 =	vlt.s32 v22, $0x1;
	v21 =	vshrl.u32 v21, $0x19;
	vm2 =	vne.s32 v30, $0x0  }
0x44: {  	v31 =	vsel vm0, $0xFFFFFFFF, v0;
	v21 =	vadd.s32 v21, v22;
	vm1 =	vmand vm12, vm2  }
0x45: {  	v22 =	vshrl.u32 v23, $0x7;
	v21 =	vshrl.u32 v21, $0x7;
	v23 =	vsel vm1, $0xFFFFFFFF, v0  }
0x46: {  	v22 =	vadd.s32 v31, v22;
	v21 =	vadd.s32 v23, v21  }
0x47: {  	v22 =	vshll.u32 v22, $0x7;
	v21 =	vshll.u32 v21, $0x7  }
0x48: {  	vm14 =	vlt.s32 v22, $0xF41C0;
	vm13 =	vlt.s32 v21, $0xF41C0  }
0x49: {  	v23 =	vmov s22;
	v22 =	vnsel vm14, $0xF41C0, v22;
	v21 =	vnsel vm13, $0xF41C0, v21  }
0x4a: {  	vm15 =	veq.s32 v23, v2;
	vm0 =	vne.s32 v21, v22;
	s17 =	spop (v2sf)  }
0x4b: {  	vm0 =	vmor vm15, vm0;
	s22 =	sadd.s32 s23, s17  }
0x4c: {  	[tilespmem:s22+$0x500] =	vst.msk vm0, v21  }
0x4d: {  	v21 =	vld [tilespmem:$0x500];
	_ =	sdelay $0x1  }
0x4e: {  	v22 =	vmpcnt.ones.xlane vm0;
	_ =	sdelay $0x1  }
0x4f: {  	(v2sf) =	vpush v22, $0x0  }
0x50: {  	(v2sf) =	vpush v21, $0x0;
	_ =	sdelay $0xd  }
0x51: {  	s18 =	spop (v2sf)  }
0x52: {  	s24 =	spop (v2sf)  }
0x53: {  	s24 =	sand.u32 $0xFFFFF80, s24  }
0x54: {  	s0 =	simm.s32 $0x7A1400;
	s22 =	sadd.s32 s22, s18;
	s24 =	sadd.s32 s1, s24  }
0x55: {  	[tilespmem:s19], [sflag:$0x1] =	stream.strided.gather [hbm4b:s24+s14], $0x9400, s0, s14, $0x38;
	[tilespmem:$0x1F780] =	vst v63  }
0x56: {  	p0 =	slt.s32 s22, $0x2;
	s25 =	sadd.s32 $0x2349C80, s24  }
0x57: {  	[tilespmem:s20], [sflag:$0x1] =	stream.linear.gather [hbm4b:s25+s4], $0x200, $0x38;
	[tilespmem:$0x1F780] =	vst v63  }
0x58: {  	v21 =	vld @!p0 [tilespmem:$0x501];
	_ =	sdelay $0x4  }
0x59: {  	(v2sf) =	vpush @!p0 v21, $0x0;
	_ =	sdelay $0xe  }
0x5a: {  	s23 =	spop @!p0 (v2sf)  }
0x5b: {  	s26 =	simm.s32 @!p0 $0x9F80;
	s23 =	sand.u32 @!p0 $0xFFFFF80, s23  }
0x5c: {  	s24 =	simm.s32 @!p0 $0x400;
	s25 =	simm.s32 @!p0 $0x7A1400;
	s23 =	sadd.s32 @!p0 s1, s23  }
0x5d: {  	[tilespmem:s26], [sflag:$0x1] =	stream.strided.gather @!p0 [hbm4b:s23+s24], $0x9400, s25, s24, $0x38;
	[tilespmem:$0x1F780] =	vst v63  }
0x5e: {  	s23 =	sadd.s32 @!p0 $0x2349C80, s23;
	s24 =	simm.s32 @!p0 $0x0;
	s25 =	simm.s32 @!p0 $0x13380  }
0x5f: {  	[tilespmem:s25], [sflag:$0x1] =	stream.linear.gather @!p0 [hbm4b:s23+s24], $0x200, $0x38;
	[tilespmem:$0x1F780] =	vst v63  }
0x60: {  	s23 =	simm.s32 $0x0  }
0x61: {  	s26 =	sand.u32 $0x1FF, s23  }
0x62: {  	v21 =	vld [tilespmem:s26+$0x80];
	_ =	sdelay $0x4  }
0x63: {  	(v2sf) =	vpush v21, $0x0;
	_ =	sdelay $0xe  }
0x64: {  	s26 =	spop (v2sf)  }
0x65: {  	s31 =	sand.u32 $0x7F, s26  }
0x66: {  	s0 =	sshra.s32 s26, $0x1F;
	p6 =	slt.s32 s26, $0x1;
	p1 =	sne.s32 s31, $0x0  }
0x67: {  	s3 =	sshrl.u32 s0, $0x19;
	p0 =	por !p6, !p1  }
0x68: {  	s25 =	simm.s32 $0x1;
	s24 =	sadd.s32 s3, s26;
	p0 =	por !p0, !p0  }
0x69: {  	s24 =	sshrl.u32 s24, $0x7;
	s25 =	simm.s32 @!p0 $0x0  }
0x6a: {  	s24 =	ssub.s32 s24, s25  }
0x6b: {  	s25 =	sshll.u32 s24, $0x7  }
0x6c: {  	p0 =	slt.s32 s25, $0xF41C0  }
0x6d: {  	s25 =	simm.s32 @!p0 $0xF41C0  }
0x6e: {  	s24 =	simm.s32 $0x1;
	p0 =	sne.s32 s25, $0xFFFFFFFF  }
0x6f: {  	s24 =	simm.s32 @!p0 $0x0  }
0x70: {  	p0 =	seq.s32 s25, $0xFFFFFFFF;
	s24 =	sadd.s32 $0xFFFFFFFF, s24  }
0x71: {  	s28 =	sadd.s32 @!p0 $0x2, s24  }
0x72: {  	p2 =	sge.s32 @!p0 s28, s22  }
0x73: {  	p1 =	por p2, p0  }
0x74: {  	v21 =	vld @!p1 [tilespmem:s28+$0x500];
	_ =	sdelay $0x3  }
0x75: {  	s29 =	smulhi.u32 $0x55555556, s24  }
0x76: {  	s30 =	smulhi.u32 @!p1 $0x55555556, s28;
	s31 =	sshra.s32 @!p1 s28, $0x1F;
	(v2sf) =	vpush @!p1 v21, $0x0  }
0x77: {  	s17 =	sshra.s32 s24, $0x1F;
	s31 =	smul.u32 @!p1 $0x55555556, s31  }
0x78: {  	s0 =	smul.u32 $0x55555556, s17  }
0x79: {  	s30 =	sadd.s32 @!p1 s31, s30  }
0x7a: {  	s0 =	sadd.s32 s0, s29;
	s29 =	sshrl.u32 @!p1 s30, $0x1F  }
0x7b: {  	s18 =	sshrl.u32 s0, $0x1F;
	s29 =	sadd.s32 @!p1 s29, s30  }
0x7c: {  	s0 =	sadd.s32 s18, s0;
	s29 =	smul.u32 @!p1 $0x3, s29  }
0x7d: {  	s0 =	smul.u32 $0x3, s0  }
0x7e: {  	s28 =	ssub.s32 @!p1 s28, s29  }
0x7f: {  	s0 =	ssub.s32 s24, s0;
	p3 =	slt.s32 @!p1 s28, $0x0  }
0x80: {  	s29 =	sadd.s32 $0x3, s0;
	p2 =	por @!p0 !p3, p2;
	p3 =	slt.s32 s0, $0x0  }
0x81: {  	s0 =	smov.u32 @p3 s29;
	s29 =	sadd.s32 @!p1 $0x3, s28;
	p2 =	por !p2, p0  }
0x82: {  	s0 =	smul.u32 $0x130, s0;
	s28 =	smov.u32 @p2 s29  }
0x83: {  	s28 =	smul.u32 @!p1 $0x26000, s28  }
0x84: {  	s26 =	ssub.s32 s26, s25  }
0x85: {  	s30 =	simm.s32 @!p1 $0x7A1400;
	v21 =	vmov s0;
	s0 =	sshra.s32 @!p1 s28, $0x2;
	s28 =	spop @!p1 (v2sf)  }
0x86: {  	v22 =	vmov s26;
	s29 =	simm.s32 @!p1 $0x400;
	v21 =	vshll.u32 v21, $0x7;
	s28 =	sand.u32 @!p1 $0xFFFFF80, s28  }
0x87: {  	v23 =	vand.u32 $0xFFFFFF80, v22;
	s26 =	sor.u32 @!p1 $0x780, s0;
	s0 =	sadd.s32 @!p1 $0x9B80, s0;
	v32 =	vor.u32 v1, v21;
	s28 =	sadd.s32 @!p1 s1, s28  }
0x88: {  	v22 =	vand.u32 $0x7F, v22;
	v24 =	vadd.s32 v23, v32;
	[tilespmem:s26], [sflag:$0x1] =	stream.strided.gather @!p1 [hbm4b:s28+s29], $0x9400, s30, s29, $0x38;
	[tilespmem:$0x1F780] =	vst v63  }
0x89: {  	v24 =	vor.u32 v22, v24;
	s26 =	sadd.s32 @!p1 $0x2349C80, s28;
	s28 =	simm.s32 @!p1 $0x0;
	s29 =	simm.s32 @!p0 $0x1  }
0x8a: {  	[tilespmem:s0], [sflag:$0x1] =	stream.linear.gather @!p1 [hbm4b:s26+s28], $0x200, $0x38;
	[tilespmem:$0x1F780] =	vst v63  }
0x8b: {  	_ =	swait.ge @!p0 [sflag:s29], $0x9600  }
0x8c: {  	[sflag:s29] =	ssyncset.done @!p0 $0x0  }
0x8d: {  	s3 =	sand.u32 $0xF, s23;
	v25 =	vadd.s32 v20, v21;
	[sflag:s29] =	ssyncadd.s32 @!p0 $0xFFFF6A00  }
0x8e: {  	s17 =	sshrl.u32 s3, $0x3;
	v25 =	vadd.s32 v23, v25;
	v24 =	vld.idx.msk [tilespmem:v24+s19+$0x0], $0xffff  }
0x8f: {  	v25 =	vor.u32 v22, v25;
	s0 =	smul.u32 $0x3000, s17;
	_ =	sdelay $0x1  }
0x90: {  	s28 =	sand.u32 $0x380, s23;
	s0 =	sshrl.u32 s0, $0x2  }
0x91: {  	s28 =	sor.u32 s28, s0  }
0x92: {  	v26 =	vadd.s32 v19, v21;
	[tilespmem:s28+$0x1CF80] =	vst v24  }
0x93: {  	v33 =	vadd.s32 v23, v26;
	v25 =	vld.idx.msk [tilespmem:v25+s19+$0x0], $0xffff  }
0x94: {  	v24 =	vor.u32 v22, v33;
	_ =	sdelay $0x2  }
0x95: {  	s0 =	sadd.s32 $0x1CF80, s28  }
0x96: {  	v34 =	vadd.s32 v18, v21;
	[tilespmem:s0+$0x10] =	vst v25  }
0x97: {  	v35 =	vadd.s32 v23, v34;
	v24 =	vld.idx.msk [tilespmem:v24+s19+$0x0], $0xffff  }
0x98: {  	v25 =	vor.u32 v22, v35;
	_ =	sdelay $0x3  }
0x99: {  	v36 =	vadd.s32 v17, v21;
	[tilespmem:s0+$0x20] =	vst v24  }
0x9a: {  	v37 =	vadd.s32 v23, v36;
	v25 =	vld.idx.msk [tilespmem:v25+s19+$0x0], $0xffff  }
0x9b: {  	v24 =	vor.u32 v22, v37;
	_ =	sdelay $0x3  }
0x9c: {  	v38 =	vadd.s32 v16, v21;
	[tilespmem:s0+$0x30] =	vst v25  }
0x9d: {  	v39 =	vadd.s32 v23, v38;
	v24 =	vld.idx.msk [tilespmem:v24+s19+$0x0], $0xffff  }
0x9e: {  	v25 =	vor.u32 v22, v39;
	_ =	sdelay $0x3  }
0x9f: {  	v40 =	vadd.s32 v15, v21;
	[tilespmem:s0+$0x40] =	vst v24  }
0xa0: {  	v41 =	vadd.s32 v23, v40;
	v25 =	vld.idx.msk [tilespmem:v25+s19+$0x0], $0xffff  }
0xa1: {  	v24 =	vor.u32 v22, v41;
	_ =	sdelay $0x3  }
0xa2: {  	v42 =	vadd.s32 v14, v21;
	[tilespmem:s0+$0x50] =	vst v25  }
0xa3: {  	v43 =	vadd.s32 v23, v42;
	v24 =	vld.idx.msk [tilespmem:v24+s19+$0x0], $0xffff  }
0xa4: {  	v25 =	vor.u32 v22, v43;
	_ =	sdelay $0x3  }
0xa5: {  	v44 =	vadd.s32 v13, v21;
	[tilespmem:s0+$0x60] =	vst v24  }
0xa6: {  	v45 =	vadd.s32 v23, v44;
	v25 =	vld.idx.msk [tilespmem:v25+s19+$0x0], $0xffff  }
0xa7: {  	v24 =	vor.u32 v22, v45;
	_ =	sdelay $0x3  }
0xa8: {  	v46 =	vadd.s32 v12, v21;
	[tilespmem:s0+$0x70] =	vst v25  }
0xa9: {  	v47 =	vadd.s32 v23, v46;
	v24 =	vld.idx.msk [tilespmem:v24+s19+$0x0], $0xffff  }
0xaa: {  	v25 =	vor.u32 v22, v47;
	_ =	sdelay $0x3  }
0xab: {  	v48 =	vadd.s32 v11, v21;
	[tilespmem:s28+$0x1D380] =	vst v24  }
0xac: {  	v49 =	vadd.s32 v23, v48;
	v25 =	vld.idx.msk [tilespmem:v25+s19+$0x0], $0xffff  }
0xad: {  	v24 =	vor.u32 v22, v49;
	_ =	sdelay $0x2  }
0xae: {  	s18 =	sadd.s32 $0x1D380, s28  }
0xaf: {  	v50 =	vadd.s32 v10, v21;
	[tilespmem:s18+$0x10] =	vst v25  }
0xb0: {  	v51 =	vadd.s32 v23, v50;
	v24 =	vld.idx.msk [tilespmem:v24+s19+$0x0], $0xffff  }
0xb1: {  	v25 =	vor.u32 v22, v51;
	_ =	sdelay $0x3  }
0xb2: {  	v52 =	vadd.s32 v9, v21;
	[tilespmem:s18+$0x20] =	vst v24  }
0xb3: {  	v53 =	vadd.s32 v23, v52;
	v25 =	vld.idx.msk [tilespmem:v25+s19+$0x0], $0xffff  }
0xb4: {  	v24 =	vor.u32 v22, v53;
	_ =	sdelay $0x3  }
0xb5: {  	v54 =	vadd.s32 v8, v21;
	[tilespmem:s18+$0x30] =	vst v25  }
0xb6: {  	v55 =	vadd.s32 v23, v54;
	v24 =	vld.idx.msk [tilespmem:v24+s19+$0x0], $0xffff  }
0xb7: {  	v25 =	vor.u32 v22, v55;
	_ =	sdelay $0x3  }
0xb8: {  	v56 =	vadd.s32 v7, v21;
	[tilespmem:s18+$0x40] =	vst v24  }
0xb9: {  	v57 =	vadd.s32 v23, v56;
	v25 =	vld.idx.msk [tilespmem:v25+s19+$0x0], $0xffff  }
0xba: {  	v24 =	vor.u32 v22, v57;
	_ =	sdelay $0x3  }
0xbb: {  	v58 =	vadd.s32 v6, v21;
	[tilespmem:s18+$0x50] =	vst v25  }
0xbc: {  	v59 =	vadd.s32 v23, v58;
	v24 =	vld.idx.msk [tilespmem:v24+s19+$0x0], $0xffff  }
0xbd: {  	v25 =	vor.u32 v22, v59;
	_ =	sdelay $0x3  }
0xbe: {  	v60 =	vadd.s32 v5, v21;
	[tilespmem:s18+$0x60] =	vst v24  }
0xbf: {  	v61 =	vadd.s32 v23, v60;
	v25 =	vld.idx.msk [tilespmem:v25+s19+$0x0], $0xffff  }
0xc0: {  	v24 =	vor.u32 v22, v61;
	_ =	sdelay $0x3  }
0xc1: {  	v62 =	vadd.s32 v4, v21;
	[tilespmem:s18+$0x70] =	vst v25  }
0xc2: {  	v63 =	vadd.s32 v23, v62;
	v24 =	vld.idx.msk [tilespmem:v24+s19+$0x0], $0xffff  }
0xc3: {  	v25 =	vor.u32 v22, v63;
	_ =	sdelay $0x3  }
0xc4: {  	v21 =	vadd.s32 v3, v21;
	[tilespmem:s28+$0x1D780] =	vst v24  }
0xc5: {  	v21 =	vadd.s32 v23, v21;
	v23 =	vld.idx.msk [tilespmem:v25+s19+$0x0], $0xffff  }
0xc6: {  	v21 =	vor.u32 v22, v21;
	_ =	sdelay $0x2  }
0xc7: {  	s31 =	sadd.s32 $0x1D780, s28  }
0xc8: {  	[tilespmem:s31+$0x10] =	vst v23  }
0xc9: {  	v21 =	vld.idx.msk [tilespmem:v21+s19+$0x0], $0xffff;
	_ =	sdelay $0x4  }
0xca: {  	p1 =	sne.s32 s3, $0xF;
	s28 =	simm.s32 $0x2F1;
	[tilespmem:s31+$0x20] =	vst v21  }
0xcb: {  	v21 =	vld @!p1 [tilespmem:s28+$0x0];
	_ =	sdelay $0x4  }
0xcc: {  	v22 =	vshrl.u32 @!p1 v21, $0x3  }
0xcd: {  	v22 =	vmul.u32 @!p1 $0x18, v22  }
0xce: {  	v23 =	vlaneseq.u32 @!p1;
	v24 =	vand.u32 @!p1 $0x7, v21  }
0xcf: {  	v25 =	vand.u32 @!p1 $0x7, v23;
	v26 =	vshrl.u32 @!p1 v23, $0x3;
	v22 =	vor.u32 @!p1 v24, v22  }
0xd0: {  	v24 =	vperm.xlane @!p1 v22, v25;
	v25 =	vmul.u32 @!p1 $0x8, v26;
	_ =	sdelay $0x1  }
0xd1: {  	v24 =	vadd.s32 @!p1 v25, v24  }
0xd2: {  	v23 =	vor.u32 @!p1 $0x8, v23  }
0xd3: {  	s0 =	sand.u32 @!p1 $0x3E00, s23;
	v22 =	vperm.xlane @!p1 v22, v23  }
0xd4: {  	s0 =	sshrl.u32 @!p1 s0, $0x2  }
0xd5: {  	vm0 =	vmmov @!p1 $0xffff;
	s26 =	simm.s32 @!p1 $0x1CF80;
	[tilespmem:s0+$0x1E780] =	vst @!p1 v21;
	s0 =	simm.s32 @!p1 $0x0;
	v21 =	vadd.s32 @!p1 v25, v22  }
0xd6: {  	[hbm4b:s5+s0] =	stream.indirect_vreg.scatter @!p1 [tilespmem:s26], [sflag:$0x2], $0x80, v24, vm0, $0xb8;
	[tilespmem:$0x1F780] =	vst v63  }
0xd7: {  	vm1 =	vmmov @!p1 $0xff;
	s26 =	simm.s32 @!p1 $0x1D780  }
0xd8: {  	[hbm4b:s10+s0] =	stream.indirect_vreg.scatter @!p1 [tilespmem:s26], [sflag:$0x2], $0x80, v24, vm1, $0xb8;
	[tilespmem:$0x1F780] =	vst v63  }
0xd9: {  	s26 =	simm.s32 @!p1 $0x1DB80  }
0xda: {  	[hbm4b:s5+s0] =	stream.indirect_vreg.scatter @!p1 [tilespmem:s26], [sflag:$0x2], $0x80, v21, vm0, $0xb8;
	[tilespmem:$0x1F780] =	vst v63  }
0xdb: {  	s30 =	simm.s32 @!p1 $0x2;
	s26 =	simm.s32 @!p1 $0x1E380  }
0xdc: {  	[hbm4b:s10+s0] =	stream.indirect_vreg.scatter @!p1 [tilespmem:s26], [sflag:$0x2], $0x80, v21, vm1, $0xb8;
	[tilespmem:$0x1F780] =	vst v63  }
0xdd: {  	s29 =	simm.s32 $0x20;
	_ =	swait.ge @!p1 [sflag:s30], $0x1800  }
0xde: {  	s28 =	simm.s32 $0x2F2;
	s26 =	simm.s32 $0x1;
	[sflag:s30] =	ssyncset.done @!p1 $0x0  }
.LBB2_4:
0xdf: {  	[sflag:s30] =	ssyncadd.s32 @!p1 $0xFFFFE800;
	s23 =	sadd.s32 $0x80, s23  }
0xe0: {  	s30 =	smov.u32 s26;
	s26 =	sadd.s32 $0x1, s26;
	s0 =	smov.u32 s25  }
0xe1: {  	s25 =	sand.u32 $0x1FF, s30;
	p0 =	sne.s32 s26, $0x200  }
0xe2: {  	v21 =	vld [tilespmem:s25+$0x80];
	_ =	sdelay $0x4  }
0xe3: {  	(v2sf) =	vpush v21, $0x0;
	_ =	sdelay $0xe  }
0xe4: {  	s31 =	spop (v2sf)  }
0xe5: {  	s25 =	sshra.s32 s31, $0x1F;
	s3 =	sand.u32 $0x7F, s31  }
0xe6: {  	p1 =	slt.s32 s31, $0x1;
	s25 =	sshrl.u32 s25, $0x19;
	p2 =	sne.s32 s3, $0x0  }
0xe7: {  	s3 =	sadd.s32 s25, s31;
	p1 =	por !p1, !p2  }
0xe8: {  	s25 =	simm.s32 $0x1;
	p1 =	por !p1, !p1  }
0xe9: {  	s3 =	sshrl.u32 s3, $0x7;
	s25 =	simm.s32 @!p1 $0x0  }
0xea: {  	s3 =	ssub.s32 s3, s25  }
0xeb: {  	s25 =	sshll.u32 s3, $0x7  }
0xec: {  	p1 =	slt.s32 s25, $0xF41C0  }
0xed: {  	s25 =	simm.s32 @!p1 $0xF41C0  }
0xee: {  	p1 =	sne.s32 s25, s0;
	s3 =	ssub.s32 s31, s25;
	s31 =	simm.s32 $0x1  }
0xef: {  	s31 =	simm.s32 @!p1 $0x0;
	v21 =	vmov s3  }
0xf0: {  	p1 =	seq.s32 s25, s0;
	s24 =	sadd.s32 s31, s24  }
0xf1: {  	s0 =	sadd.s32 @!p1 $0x2, s24;
	s3 =	smulhi.u32 $0x55555556, s24;
	s31 =	sshra.s32 s24, $0x1F  }
0xf2: {  	p3 =	sge.s32 @!p1 s0, s22;
	s31 =	smul.u32 $0x55555556, s31  }
0xf3: {  	p2 =	por p3, p1  }
0xf4: {  	v22 =	vld @!p2 [tilespmem:s0+$0x500];
	s17 =	smulhi.u32 @!p2 $0x55555556, s0;
	s18 =	sshra.s32 @!p2 s0, $0x1F;
	s3 =	sadd.s32 s31, s3  }
0xf5: {  	s18 =	smul.u32 @!p2 $0x55555556, s18;
	s31 =	sshrl.u32 s3, $0x1F  }
0xf6: {  	s3 =	sadd.s32 s31, s3  }
0xf7: {  	s17 =	sadd.s32 @!p2 s18, s17;
	s3 =	smul.u32 $0x3, s3  }
0xf8: {  	s18 =	sshrl.u32 @!p2 s17, $0x1F  }
0xf9: {  	s17 =	sadd.s32 @!p2 s18, s17;
	s3 =	ssub.s32 s24, s3;
	(v2sf) =	vpush @!p2 v22, $0x0  }
0xfa: {  	s17 =	smul.u32 @!p2 $0x3, s17;
	p4 =	slt.s32 s3, $0x0;
	s18 =	sadd.s32 $0x3, s3  }
0xfb: {  	s3 =	smov.u32 @p4 s18  }
0xfc: {  	s0 =	ssub.s32 @!p2 s0, s17;
	s3 =	smul.u32 $0x130, s3  }
0xfd: {  	p4 =	slt.s32 @!p2 s0, $0x0;
	s17 =	sadd.s32 @!p2 $0x3, s0  }
0xfe: {  	p3 =	por @!p1 !p4, p3;
	v22 =	vmov s3  }
0xff: {  	v32 =	vand.u32 $0xFFFFFF80, v21;
	p3 =	por !p3, p1;
	v22 =	vshll.u32 v22, $0x7  }
0x100: {  	s0 =	smov.u32 @p3 s17;
	v23 =	vor.u32 v1, v22;
	v24 =	vadd.s32 v20, v22;
	v25 =	vadd.s32 v19, v22  }
0x101: {  	s0 =	smul.u32 @!p2 $0x26000, s0;
	v23 =	vadd.s32 v32, v23;
	v33 =	vadd.s32 v32, v24;
	v34 =	vadd.s32 v32, v25  }
0x102: {  	v26 =	vadd.s32 v16, v22;
	v24 =	vadd.s32 v18, v22;
	v25 =	vadd.s32 v17, v22  }
0x103: {  	v37 =	vadd.s32 v32, v26;
	v35 =	vadd.s32 v32, v24;
	v36 =	vadd.s32 v32, v25;
	s0 =	sshra.s32 @!p2 s0, $0x2  }
0x104: {  	v26 =	vadd.s32 v13, v22;
	v24 =	vadd.s32 v15, v22;
	v25 =	vadd.s32 v14, v22;
	s3 =	sor.u32 @!p2 $0x780, s0;
	s0 =	sadd.s32 @!p2 $0x9B80, s0  }
0x105: {  	v40 =	vadd.s32 v32, v26;
	v38 =	vadd.s32 v32, v24;
	v39 =	vadd.s32 v32, v25  }
0x106: {  	v26 =	vadd.s32 v10, v22;
	v24 =	vadd.s32 v12, v22;
	v25 =	vadd.s32 v11, v22  }
0x107: {  	v29 =	vadd.s32 v32, v26;
	v31 =	vadd.s32 v32, v24;
	v30 =	vadd.s32 v32, v25  }
0x108: {  	v26 =	vadd.s32 v7, v22;
	v24 =	vadd.s32 v9, v22;
	v25 =	vadd.s32 v8, v22;
	s17 =	spop @!p2 (v2sf)  }
0x109: {  	v28 =	vadd.s32 v32, v24;
	v27 =	vadd.s32 v32, v25;
	v25 =	vadd.s32 v32, v26;
	s17 =	sand.u32 @!p2 $0xFFFFF80, s17  }
0x10a: {  	s31 =	simm.s32 @!p2 $0x7A1400;
	s18 =	simm.s32 @!p2 $0x400;
	v41 =	vadd.s32 v5, v22;
	v42 =	vadd.s32 v4, v22;
	v24 =	vadd.s32 v6, v22;
	s17 =	sadd.s32 @!p2 s1, s17  }
0x10b: {  	v21 =	vand.u32 $0x7F, v21;
	v26 =	vadd.s32 v32, v24;
	v24 =	vadd.s32 v32, v41;
	[tilespmem:s3], [sflag:$0x1] =	stream.strided.gather @!p2 [hbm4b:s17+s18], $0x9400, s31, s18, $0x38;
	[tilespmem:$0x1F780] =	vst v63  }
0x10c: {  	v36 =	vor.u32 v21, v36;
	v41 =	vor.u32 v21, v23;
	v23 =	vadd.s32 v32, v42;
	s3 =	sadd.s32 @!p2 $0x2349C80, s17;
	s17 =	simm.s32 @!p2 $0x0;
	s18 =	simm.s32 @!p1 $0x1  }
0x10d: {  	v22 =	vadd.s32 v3, v22;
	[tilespmem:s0], [sflag:$0x1] =	stream.linear.gather @!p2 [hbm4b:s3+s17], $0x200, $0x38;
	[tilespmem:$0x1F780] =	vst v63  }
0x10e: {  	v22 =	vadd.s32 v32, v22;
	_ =	swait.ge @!p1 [sflag:s18], $0x9600  }
0x10f: {  	[sflag:s18] =	ssyncset.done @!p1 $0x0  }
0x110: {  	[sflag:s18] =	ssyncadd.s32 @!p1 $0xFFFF6A00  }
0x111: {  	s30 =	sand.u32 $0xF, s30;
	v32 =	vld.idx.msk [tilespmem:v41+s19+$0x0], $0xffff  }
0x112: {  	s0 =	sshrl.u32 s30, $0x3  }
0x113: {  	v33 =	vor.u32 v21, v33;
	s0 =	smul.u32 $0x3000, s0;
	_ =	sdelay $0x1  }
0x114: {  	s3 =	sand.u32 $0x380, s23;
	s0 =	sshrl.u32 s0, $0x2  }
0x115: {  	s31 =	sor.u32 s3, s0  }
0x116: {  	[tilespmem:s31+$0x1CF80] =	vst v32  }
0x117: {  	v32 =	vld.idx.msk [tilespmem:v33+s19+$0x0], $0xffff;
	_ =	sdelay $0x1  }
0x118: {  	v33 =	vor.u32 v21, v34;
	_ =	sdelay $0x2  }
0x119: {  	s0 =	sadd.s32 $0x1CF80, s31  }
0x11a: {  	[tilespmem:s0+$0x10] =	vst v32  }
0x11b: {  	v32 =	vld.idx.msk [tilespmem:v33+s19+$0x0], $0xffff;
	_ =	sdelay $0x1  }
0x11c: {  	v33 =	vor.u32 v21, v35;
	_ =	sdelay $0x3  }
0x11d: {  	[tilespmem:s0+$0x20] =	vst v32  }
0x11e: {  	v32 =	vld.idx.msk [tilespmem:v33+s19+$0x0], $0xffff;
	_ =	sdelay $0x5  }
0x11f: {  	[tilespmem:s0+$0x30] =	vst v32  }
0x120: {  	v32 =	vld.idx.msk [tilespmem:v36+s19+$0x0], $0xffff;
	_ =	sdelay $0x1  }
0x121: {  	v33 =	vor.u32 v21, v37;
	_ =	sdelay $0x3  }
0x122: {  	[tilespmem:s0+$0x40] =	vst v32  }
0x123: {  	v32 =	vld.idx.msk [tilespmem:v33+s19+$0x0], $0xffff;
	_ =	sdelay $0x1  }
0x124: {  	v33 =	vor.u32 v21, v38;
	_ =	sdelay $0x3  }
0x125: {  	[tilespmem:s0+$0x50] =	vst v32  }
0x126: {  	v32 =	vld.idx.msk [tilespmem:v33+s19+$0x0], $0xffff;
	_ =	sdelay $0x1  }
0x127: {  	v33 =	vor.u32 v21, v39;
	_ =	sdelay $0x3  }
0x128: {  	[tilespmem:s0+$0x60] =	vst v32  }
0x129: {  	v32 =	vld.idx.msk [tilespmem:v33+s19+$0x0], $0xffff;
	_ =	sdelay $0x1  }
0x12a: {  	v33 =	vor.u32 v21, v40;
	_ =	sdelay $0x3  }
0x12b: {  	[tilespmem:s0+$0x70] =	vst v32  }
0x12c: {  	v32 =	vld.idx.msk [tilespmem:v33+s19+$0x0], $0xffff;
	_ =	sdelay $0x1  }
0x12d: {  	v31 =	vor.u32 v21, v31;
	_ =	sdelay $0x3  }
0x12e: {  	[tilespmem:s31+$0x1D380] =	vst v32  }
0x12f: {  	v31 =	vld.idx.msk [tilespmem:v31+s19+$0x0], $0xffff;
	_ =	sdelay $0x1  }
0x130: {  	v30 =	vor.u32 v21, v30;
	_ =	sdelay $0x2  }
0x131: {  	s0 =	sadd.s32 $0x1D380, s31  }
0x132: {  	[tilespmem:s0+$0x10] =	vst v31  }
0x133: {  	v30 =	vld.idx.msk [tilespmem:v30+s19+$0x0], $0xffff;
	_ =	sdelay $0x1  }
0x134: {  	v29 =	vor.u32 v21, v29;
	_ =	sdelay $0x3  }
0x135: {  	[tilespmem:s0+$0x20] =	vst v30  }
0x136: {  	v29 =	vld.idx.msk [tilespmem:v29+s19+$0x0], $0xffff;
	_ =	sdelay $0x1  }
0x137: {  	v28 =	vor.u32 v21, v28;
	_ =	sdelay $0x3  }
0x138: {  	[tilespmem:s0+$0x30] =	vst v29  }
0x139: {  	v28 =	vld.idx.msk [tilespmem:v28+s19+$0x0], $0xffff;
	_ =	sdelay $0x1  }
0x13a: {  	v27 =	vor.u32 v21, v27;
	_ =	sdelay $0x3  }
0x13b: {  	[tilespmem:s0+$0x40] =	vst v28  }
0x13c: {  	v27 =	vld.idx.msk [tilespmem:v27+s19+$0x0], $0xffff;
	_ =	sdelay $0x1  }
0x13d: {  	v25 =	vor.u32 v21, v25;
	_ =	sdelay $0x3  }
0x13e: {  	[tilespmem:s0+$0x50] =	vst v27  }
0x13f: {  	v25 =	vld.idx.msk [tilespmem:v25+s19+$0x0], $0xffff;
	_ =	sdelay $0x1  }
0x140: {  	v26 =	vor.u32 v21, v26;
	_ =	sdelay $0x3  }
0x141: {  	[tilespmem:s0+$0x60] =	vst v25  }
0x142: {  	v25 =	vld.idx.msk [tilespmem:v26+s19+$0x0], $0xffff;
	_ =	sdelay $0x1  }
0x143: {  	v24 =	vor.u32 v21, v24;
	_ =	sdelay $0x3  }
0x144: {  	[tilespmem:s0+$0x70] =	vst v25  }
0x145: {  	v24 =	vld.idx.msk [tilespmem:v24+s19+$0x0], $0xffff;
	_ =	sdelay $0x1  }
0x146: {  	v23 =	vor.u32 v21, v23;
	_ =	sdelay $0x3  }
0x147: {  	[tilespmem:s31+$0x1D780] =	vst v24  }
0x148: {  	v23 =	vld.idx.msk [tilespmem:v23+s19+$0x0], $0xffff;
	_ =	sdelay $0x1  }
0x149: {  	v21 =	vor.u32 v21, v22;
	_ =	sdelay $0x2  }
0x14a: {  	s0 =	sadd.s32 $0x1D780, s31  }
0x14b: {  	[tilespmem:s0+$0x10] =	vst v23  }
0x14c: {  	v21 =	vld.idx.msk [tilespmem:v21+s19+$0x0], $0xffff;
	_ =	sdelay $0x5  }
0x14d: {  	p1 =	sne.s32 s30, $0xF;
	[tilespmem:s0+$0x20] =	vst v21  }
0x14e: {  	v22 =	vlaneseq.u32 @!p1;
	s0 =	sand.u32 @!p1 $0x3E00, s29;
	v21 =	vld @!p1 [tilespmem:s28+$0x0]  }
0x14f: {  	v24 =	vshrl.u32 @!p1 v22, $0x3;
	v23 =	vand.u32 @!p1 $0x7, v22;
	v22 =	vor.u32 @!p1 $0x8, v22;
	s0 =	sshrl.u32 @!p1 s0, $0x2;
	_ =	sdelay $0x3  }
0x150: {  	[tilespmem:s0+$0x1E780] =	vst @!p1 v21;
	v25 =	vshrl.u32 @!p1 v21, $0x3  }
0x151: {  	v25 =	vmul.u32 @!p1 $0x18, v25  }
0x152: {  	v21 =	vand.u32 @!p1 $0x7, v21  }
0x153: {  	v21 =	vor.u32 @!p1 v21, v25  }
0x154: {  	v24 =	vmul.u32 @!p1 $0x8, v24;
	v23 =	vperm.xlane @!p1 v21, v23;
	v21 =	vperm.xlane @!p1 v21, v22;
	_ =	sdelay $0x1  }
0x155: {  	v22 =	vadd.s32 @!p1 v24, v23;
	_ =	sdelay $0x3  }
0x156: {  	vm0 =	vmmov @!p1 $0xffff;
	s3 =	simm.s32 @!p1 $0x1CF80;
	s0 =	simm.s32 @!p1 $0x0;
	v21 =	vadd.s32 @!p1 v24, v21  }
0x157: {  	[hbm4b:s5+s0] =	stream.indirect_vreg.scatter @!p1 [tilespmem:s3], [sflag:$0x2], $0x80, v22, vm0, $0xb8;
	[tilespmem:$0x1F780] =	vst v63  }
0x158: {  	vm1 =	vmmov @!p1 $0xff;
	s3 =	simm.s32 @!p1 $0x1D780  }
0x159: {  	[hbm4b:s10+s0] =	stream.indirect_vreg.scatter @!p1 [tilespmem:s3], [sflag:$0x2], $0x80, v22, vm1, $0xb8;
	[tilespmem:$0x1F780] =	vst v63  }
0x15a: {  	s3 =	simm.s32 @!p1 $0x1DB80  }
0x15b: {  	[hbm4b:s5+s0] =	stream.indirect_vreg.scatter @!p1 [tilespmem:s3], [sflag:$0x2], $0x80, v21, vm0, $0xb8;
	[tilespmem:$0x1F780] =	vst v63  }
.Ltmp1:
0x15c: {  	_ = 	snop;
	(pc) =	sbr.rel @p0 .LBB2_4-.Ltmp1, $4  }
0x15d: {  	s30 =	simm.s32 @!p1 $0x2;
	s3 =	simm.s32 @!p1 $0x1E380  }
0x15e: {  	[hbm4b:s10+s0] =	stream.indirect_vreg.scatter @!p1 [tilespmem:s3], [sflag:$0x2], $0x80, v21, vm1, $0xb8;
	[tilespmem:$0x1F780] =	vst v63  }
0x15f: {  	_ =	swait.ge @!p1 [sflag:s30], $0x1800  }
0x160: {  	s29 =	sadd.s32 $0x20, s29;
	s28 =	sadd.s32 $0x1, s28;
	[sflag:s30] =	ssyncset.done @!p1 $0x0  }
0x161: {  	[sflag:s30] =	ssyncadd.s32 @!p1 $0xFFFFE800  }
0x162: {  	[tilespmem:s15], [sflag:$0x3] =	stream.strided.gather [hbm4b:s7+s15], $0x200, s14, s15, $0x38;
	[tilespmem:$0x1F780] =	vst v63  }
0x163: {  	_ =	swait.ge [sflag:s16], $0x200  }
0x164: {  	[sflag:s16] =	ssyncset.done $0x0  }
0x165: {  	s0 =	simm.s32 $0x300;
	[sflag:s16] =	ssyncadd.s32 $0xFFFFFE00  }
0x166: {  	[tilespmem:s0], [sflag:$0x3] =	stream.strided.gather [hbm4b:s11+s15], $0x200, s14, s15, $0x38;
	[tilespmem:$0x1F780] =	vst v63  }
0x167: {  	_ =	swait.ge [sflag:s16], $0x200  }
0x168: {  	[sflag:s16] =	ssyncset.done $0x0  }
0x169: {  	s30 =	simm.s32 $0x7F;
	s22 =	simm.s32 $0x0;
	[sflag:s16] =	ssyncadd.s32 $0xFFFFFE00  }
0x16a: {  	s31 =	sand.u32 $0x1F0, s22;
	v21 =	vld [tilespmem:s30+$0x0]  }
0x16b: {  	v22 =	vld [tilespmem:s31+$0x80];
	_ =	sdelay $0x3  }
0x16c: {  	v23 =	vshra.s32 v21, $0x1F;
	v24 =	vand.u32 $0x7F, v21;
	vm0 =	vlt.s32 v21, $0x1  }
0x16d: {  	v62 =	vand.u32 $0x7F, v22;
	vm12 =	vlt.s32 v22, $0x1;
	v23 =	vshrl.u32 v23, $0x19  }
0x16e: {  	vm1 =	vne.s32 v24, $0x0;
	v23 =	vadd.s32 v23, v21;
	v21 =	vshra.s32 v22, $0x1F  }
0x16f: {  	vm2 =	vne.s32 v62, $0x0;
	vm0 =	vmand vm0, vm1;
	v21 =	vshrl.u32 v21, $0x19  }
0x170: {  	vm1 =	vmand vm12, vm2;
	v63 =	vsel vm0, $0xFFFFFFFF, v0;
	v21 =	vadd.s32 v21, v22  }
0x171: {  	v22 =	vshrl.u32 v23, $0x7;
	v23 =	vsel vm1, $0xFFFFFFFF, v0;
	v21 =	vshrl.u32 v21, $0x7  }
0x172: {  	v22 =	vadd.s32 v63, v22;
	v21 =	vadd.s32 v23, v21  }
0x173: {  	v22 =	vshll.u32 v22, $0x7;
	v21 =	vshll.u32 v21, $0x7  }
0x174: {  	vm14 =	vlt.s32 v22, $0xF41C0;
	vm13 =	vlt.s32 v21, $0xF41C0  }
0x175: {  	v23 =	vmov s22;
	v22 =	vnsel vm14, $0xF41C0, v22;
	v21 =	vnsel vm13, $0xF41C0, v21  }
0x176: {  	vm15 =	veq.s32 v23, v2;
	vm0 =	vne.s32 v21, v22  }
0x177: {  	vm0 =	vmor vm15, vm0  }
0x178: {  	s24 =	simm.s32 $0x8F;
	v22 =	vmpcnt.ones.xlane vm0;
	[tilespmem:s22+$0x500] =	vst.msk vm0, v21  }
0x179: {  	v21 =	vld [tilespmem:s24+$0x0]  }
0x17a: {  	s25 =	simm.s32 $0x10;
	(v2sf) =	vpush v22, $0x0  }
0x17b: {  	s23 =	simm.s32 $0x1;
	s26 =	simm.s32 $0x2;
	s28 =	sand.u32 $0x1F0, s25  }
.LBB2_6:
0x17c: {  	p0 =	sne.s32 s26, $0x1F;
	v22 =	vld [tilespmem:s28+$0x80];
	_ =	sdelay $0x1  }
0x17d: {  	v23 =	vshra.s32 v21, $0x1F  }
0x17e: {  	v24 =	vand.u32 $0x7F, v21;
	v23 =	vshrl.u32 v23, $0x19  }
0x17f: {  	vm0 =	vlt.s32 v21, $0x1;
	vm1 =	vne.s32 v24, $0x0;
	v23 =	vadd.s32 v23, v21  }
0x180: {  	vm0 =	vmand vm0, vm1;
	v21 =	vshra.s32 v22, $0x1F;
	v24 =	vand.u32 $0x7F, v22  }
0x181: {  	vm1 =	vlt.s32 v22, $0x1;
	v21 =	vshrl.u32 v21, $0x19;
	vm2 =	vne.s32 v24, $0x0  }
0x182: {  	v21 =	vadd.s32 v21, v22;
	vm1 =	vmand vm1, vm2;
	v22 =	vshrl.u32 v23, $0x7  }
0x183: {  	v24 =	vsel vm0, $0xFFFFFFFF, v0;
	v21 =	vshrl.u32 v21, $0x7;
	v23 =	vsel vm1, $0xFFFFFFFF, v0  }
0x184: {  	v22 =	vadd.s32 v24, v22;
	v21 =	vadd.s32 v23, v21  }
0x185: {  	v22 =	vshll.u32 v22, $0x7;
	v21 =	vshll.u32 v21, $0x7  }
0x186: {  	vm1 =	vlt.s32 v22, $0xF41C0;
	vm0 =	vlt.s32 v21, $0xF41C0  }
0x187: {  	v23 =	vmov s23;
	s23 =	smov.u32 s26;
	v22 =	vnsel vm1, $0xF41C0, v22;
	v21 =	vnsel vm0, $0xF41C0, v21  }
0x188: {  	vm1 =	veq.s32 v23, v2;
	vm0 =	vne.s32 v21, v22;
	s0 =	spop (v2sf)  }
.Ltmp2:
0x189: {  	vm0 =	vmor vm1, vm0;
	s22 =	sadd.s32 s22, s0;
	(pc) =	sbr.rel @p0 .LBB2_6-.Ltmp2, $4  }
0x18a: {  	s24 =	sadd.s32 $0x10, s24;
	[tilespmem:s22+$0x500] =	vst.msk vm0, v21;
	v22 =	vmpcnt.ones.xlane vm0  }
0x18b: {  	v21 =	vld [tilespmem:s24+$0x0]  }
0x18c: {  	s25 =	sadd.s32 $0x10, s25;
	(v2sf) =	vpush v22, $0x0  }
0x18d: {  	s28 =	sand.u32 $0x1F0, s25;
	s26 =	sadd.s32 $0x1, s26  }
0x18e: {  	v22 =	vld [tilespmem:s28+$0x80];
	_ =	sdelay $0x1  }
0x18f: {  	v23 =	vshra.s32 v21, $0x1F  }
0x190: {  	v24 =	vand.u32 $0x7F, v21;
	v23 =	vshrl.u32 v23, $0x19  }
0x191: {  	vm0 =	vlt.s32 v21, $0x1;
	vm1 =	vne.s32 v24, $0x0;
	v23 =	vadd.s32 v23, v21  }
0x192: {  	vm0 =	vmand vm0, vm1;
	v21 =	vshra.s32 v22, $0x1F;
	v30 =	vand.u32 $0x7F, v22  }
0x193: {  	vm12 =	vlt.s32 v22, $0x1;
	v21 =	vshrl.u32 v21, $0x19;
	vm2 =	vne.s32 v30, $0x0  }
0x194: {  	v31 =	vsel vm0, $0xFFFFFFFF, v0;
	v21 =	vadd.s32 v21, v22;
	vm1 =	vmand vm12, vm2  }
0x195: {  	v22 =	vshrl.u32 v23, $0x7;
	v21 =	vshrl.u32 v21, $0x7;
	v23 =	vsel vm1, $0xFFFFFFFF, v0  }
0x196: {  	v22 =	vadd.s32 v31, v22;
	v21 =	vadd.s32 v23, v21  }
0x197: {  	v22 =	vshll.u32 v22, $0x7;
	v21 =	vshll.u32 v21, $0x7  }
0x198: {  	vm14 =	vlt.s32 v22, $0xF41C0;
	vm13 =	vlt.s32 v21, $0xF41C0  }
0x199: {  	v23 =	vmov s23;
	v22 =	vnsel vm14, $0xF41C0, v22;
	v21 =	vnsel vm13, $0xF41C0, v21  }
0x19a: {  	vm15 =	veq.s32 v23, v2;
	vm0 =	vne.s32 v21, v22;
	s0 =	spop (v2sf)  }
0x19b: {  	vm0 =	vmor vm15, vm0;
	s0 =	sadd.s32 s22, s0  }
0x19c: {  	[tilespmem:s0+$0x500] =	vst.msk vm0, v21  }
0x19d: {  	v21 =	vld [tilespmem:$0x500];
	_ =	sdelay $0x1  }
0x19e: {  	v22 =	vmpcnt.ones.xlane vm0;
	_ =	sdelay $0x1  }
0x19f: {  	(v2sf) =	vpush v22, $0x0  }
0x1a0: {  	(v2sf) =	vpush v21, $0x0;
	_ =	sdelay $0xd  }
0x1a1: {  	s3 =	spop (v2sf)  }
0x1a2: {  	s17 =	spop (v2sf)  }
0x1a3: {  	s17 =	sand.u32 $0xFFFFF80, s17  }
0x1a4: {  	s18 =	simm.s32 $0x7A1400;
	s22 =	sadd.s32 s0, s3;
	s17 =	sadd.s32 s2, s17  }
0x1a5: {  	[tilespmem:s19], [sflag:$0x1] =	stream.strided.gather [hbm4b:s17+s14], $0x9400, s18, s14, $0x38;
	[tilespmem:$0x1F780] =	vst v63  }
0x1a6: {  	p0 =	slt.s32 s22, $0x2;
	s17 =	sadd.s32 $0x2349C80, s17  }
0x1a7: {  	[tilespmem:s20], [sflag:$0x1] =	stream.linear.gather [hbm4b:s17+s4], $0x200, $0x38;
	[tilespmem:$0x1F780] =	vst v63  }
0x1a8: {  	v21 =	vld @!p0 [tilespmem:$0x501];
	_ =	sdelay $0x4  }
0x1a9: {  	(v2sf) =	vpush @!p0 v21, $0x0;
	_ =	sdelay $0xe  }
0x1aa: {  	s0 =	spop @!p0 (v2sf)  }
0x1ab: {  	s3 =	simm.s32 @!p0 $0x400;
	s0 =	sand.u32 @!p0 $0xFFFFF80, s0  }
0x1ac: {  	s18 =	simm.s32 @!p0 $0x9F80;
	s17 =	simm.s32 @!p0 $0x7A1400;
	s0 =	sadd.s32 @!p0 s2, s0  }
0x1ad: {  	[tilespmem:s18], [sflag:$0x1] =	stream.strided.gather @!p0 [hbm4b:s0+s3], $0x9400, s17, s3, $0x38;
	[tilespmem:$0x1F780] =	vst v63  }
0x1ae: {  	s23 =	simm.s32 $0x0;
	s0 =	sadd.s32 @!p0 $0x2349C80, s0  }
0x1af: {  	s3 =	simm.s32 @!p0 $0x0;
	s17 =	simm.s32 @!p0 $0x13380;
	s18 =	sand.u32 $0x1FF, s23  }
0x1b0: {  	[tilespmem:s17], [sflag:$0x1] =	stream.linear.gather @!p0 [hbm4b:s0+s3], $0x200, $0x38;
	[tilespmem:$0x1F780] =	vst v63  }
0x1b1: {  	v21 =	vld [tilespmem:s18+$0x80];
	_ =	sdelay $0x4  }
0x1b2: {  	(v2sf) =	vpush v21, $0x0;
	_ =	sdelay $0xe  }
0x1b3: {  	s0 =	spop (v2sf)  }
0x1b4: {  	s24 =	sand.u32 $0x7F, s0  }
0x1b5: {  	s25 =	sshra.s32 s0, $0x1F;
	p6 =	slt.s32 s0, $0x1;
	p1 =	sne.s32 s24, $0x0  }
0x1b6: {  	s26 =	sshrl.u32 s25, $0x19;
	p0 =	por !p6, !p1  }
0x1b7: {  	s17 =	simm.s32 $0x1;
	s3 =	sadd.s32 s26, s0;
	p0 =	por !p0, !p0  }
0x1b8: {  	s3 =	sshrl.u32 s3, $0x7;
	s17 =	simm.s32 @!p0 $0x0  }
0x1b9: {  	s3 =	ssub.s32 s3, s17  }
0x1ba: {  	s25 =	sshll.u32 s3, $0x7  }
0x1bb: {  	p0 =	slt.s32 s25, $0xF41C0  }
0x1bc: {  	s25 =	simm.s32 @!p0 $0xF41C0  }
0x1bd: {  	s3 =	simm.s32 $0x1;
	p0 =	sne.s32 s25, $0xFFFFFFFF  }
0x1be: {  	s3 =	simm.s32 @!p0 $0x0  }
0x1bf: {  	p0 =	seq.s32 s25, $0xFFFFFFFF;
	s24 =	sadd.s32 $0xFFFFFFFF, s3  }
0x1c0: {  	s3 =	sadd.s32 @!p0 $0x2, s24  }
0x1c1: {  	p2 =	sge.s32 @!p0 s3, s22  }
0x1c2: {  	p1 =	por p2, p0  }
0x1c3: {  	v21 =	vld @!p1 [tilespmem:s3+$0x500];
	_ =	sdelay $0x4  }
0x1c4: {  	s31 =	smulhi.u32 $0x55555556, s24;
	(v2sf) =	vpush @!p1 v21, $0x0  }
0x1c5: {  	s18 =	smulhi.u32 @!p1 $0x55555556, s3;
	s26 =	sshra.s32 @!p1 s3, $0x1F  }
0x1c6: {  	s28 =	sshra.s32 s24, $0x1F;
	s26 =	smul.u32 @!p1 $0x55555556, s26  }
0x1c7: {  	s28 =	smul.u32 $0x55555556, s28  }
0x1c8: {  	s18 =	sadd.s32 @!p1 s26, s18  }
0x1c9: {  	s17 =	sadd.s32 s28, s31;
	s26 =	sshrl.u32 @!p1 s18, $0x1F  }
0x1ca: {  	s28 =	sshrl.u32 s17, $0x1F;
	s18 =	sadd.s32 @!p1 s26, s18  }
0x1cb: {  	s17 =	sadd.s32 s28, s17;
	s18 =	smul.u32 @!p1 $0x3, s18  }
0x1cc: {  	s17 =	smul.u32 $0x3, s17  }
0x1cd: {  	s3 =	ssub.s32 @!p1 s3, s18  }
0x1ce: {  	s17 =	ssub.s32 s24, s17;
	p3 =	slt.s32 @!p1 s3, $0x0  }
0x1cf: {  	s18 =	sadd.s32 $0x3, s17;
	p2 =	por @!p0 !p3, p2;
	p3 =	slt.s32 s17, $0x0  }
0x1d0: {  	s17 =	smov.u32 @p3 s18;
	s18 =	sadd.s32 @!p1 $0x3, s3;
	p2 =	por !p2, p0  }
0x1d1: {  	s17 =	smul.u32 $0x130, s17;
	s3 =	smov.u32 @p2 s18  }
0x1d2: {  	s3 =	smul.u32 @!p1 $0x26000, s3  }
0x1d3: {  	s0 =	ssub.s32 s0, s25;
	s26 =	simm.s32 @!p1 $0x7A1400;
	v21 =	vmov s17;
	s17 =	spop @!p1 (v2sf)  }
0x1d4: {  	v22 =	vmov s0;
	s18 =	simm.s32 @!p1 $0x400;
	s3 =	sshra.s32 @!p1 s3, $0x2;
	v21 =	vshll.u32 v21, $0x7;
	s17 =	sand.u32 @!p1 $0xFFFFF80, s17  }
0x1d5: {  	v23 =	vand.u32 $0xFFFFFF80, v22;
	s0 =	sor.u32 @!p1 $0x780, s3;
	s3 =	sadd.s32 @!p1 $0x9B80, s3;
	v32 =	vor.u32 v1, v21;
	s17 =	sadd.s32 @!p1 s2, s17  }
0x1d6: {  	v22 =	vand.u32 $0x7F, v22;
	v24 =	vadd.s32 v23, v32;
	[tilespmem:s0], [sflag:$0x1] =	stream.strided.gather @!p1 [hbm4b:s17+s18], $0x9400, s26, s18, $0x38;
	[tilespmem:$0x1F780] =	vst v63  }
0x1d7: {  	v24 =	vor.u32 v22, v24;
	s0 =	sadd.s32 @!p1 $0x2349C80, s17;
	s17 =	simm.s32 @!p1 $0x0;
	s18 =	simm.s32 @!p0 $0x1  }
0x1d8: {  	[tilespmem:s3], [sflag:$0x1] =	stream.linear.gather @!p1 [hbm4b:s0+s17], $0x200, $0x38;
	[tilespmem:$0x1F780] =	vst v63  }
0x1d9: {  	_ =	swait.ge @!p0 [sflag:s18], $0x9600  }
0x1da: {  	[sflag:s18] =	ssyncset.done @!p0 $0x0  }
0x1db: {  	v25 =	vadd.s32 v20, v21;
	s26 =	sand.u32 $0xF, s23;
	[sflag:s18] =	ssyncadd.s32 @!p0 $0xFFFF6A00  }
0x1dc: {  	v25 =	vadd.s32 v23, v25;
	s3 =	sshrl.u32 s26, $0x3;
	v24 =	vld.idx.msk [tilespmem:v24+s19+$0x0], $0xffff  }
0x1dd: {  	v25 =	vor.u32 v22, v25;
	s0 =	smul.u32 $0x3000, s3;
	_ =	sdelay $0x1  }
0x1de: {  	s17 =	sand.u32 $0x380, s23;
	s0 =	sshrl.u32 s0, $0x2  }
0x1df: {  	s28 =	sor.u32 s17, s0  }
0x1e0: {  	v26 =	vadd.s32 v19, v21;
	[tilespmem:s28+$0x1CF80] =	vst v24  }
0x1e1: {  	v33 =	vadd.s32 v23, v26;
	v25 =	vld.idx.msk [tilespmem:v25+s19+$0x0], $0xffff  }
0x1e2: {  	v24 =	vor.u32 v22, v33;
	_ =	sdelay $0x2  }
0x1e3: {  	s0 =	sadd.s32 $0x1CF80, s28  }
0x1e4: {  	v34 =	vadd.s32 v18, v21;
	[tilespmem:s0+$0x10] =	vst v25  }
0x1e5: {  	v35 =	vadd.s32 v23, v34;
	v24 =	vld.idx.msk [tilespmem:v24+s19+$0x0], $0xffff  }
0x1e6: {  	v25 =	vor.u32 v22, v35;
	_ =	sdelay $0x3  }
0x1e7: {  	v36 =	vadd.s32 v17, v21;
	[tilespmem:s0+$0x20] =	vst v24  }
0x1e8: {  	v37 =	vadd.s32 v23, v36;
	v25 =	vld.idx.msk [tilespmem:v25+s19+$0x0], $0xffff  }
0x1e9: {  	v24 =	vor.u32 v22, v37;
	_ =	sdelay $0x3  }
0x1ea: {  	v38 =	vadd.s32 v16, v21;
	[tilespmem:s0+$0x30] =	vst v25  }
0x1eb: {  	v39 =	vadd.s32 v23, v38;
	v24 =	vld.idx.msk [tilespmem:v24+s19+$0x0], $0xffff  }
0x1ec: {  	v25 =	vor.u32 v22, v39;
	_ =	sdelay $0x3  }
0x1ed: {  	v40 =	vadd.s32 v15, v21;
	[tilespmem:s0+$0x40] =	vst v24  }
0x1ee: {  	v41 =	vadd.s32 v23, v40;
	v25 =	vld.idx.msk [tilespmem:v25+s19+$0x0], $0xffff  }
0x1ef: {  	v24 =	vor.u32 v22, v41;
	_ =	sdelay $0x3  }
0x1f0: {  	v42 =	vadd.s32 v14, v21;
	[tilespmem:s0+$0x50] =	vst v25  }
0x1f1: {  	v43 =	vadd.s32 v23, v42;
	v24 =	vld.idx.msk [tilespmem:v24+s19+$0x0], $0xffff  }
0x1f2: {  	v25 =	vor.u32 v22, v43;
	_ =	sdelay $0x3  }
0x1f3: {  	v44 =	vadd.s32 v13, v21;
	[tilespmem:s0+$0x60] =	vst v24  }
0x1f4: {  	v45 =	vadd.s32 v23, v44;
	v25 =	vld.idx.msk [tilespmem:v25+s19+$0x0], $0xffff  }
0x1f5: {  	v24 =	vor.u32 v22, v45;
	_ =	sdelay $0x3  }
0x1f6: {  	v46 =	vadd.s32 v12, v21;
	[tilespmem:s0+$0x70] =	vst v25  }
0x1f7: {  	v47 =	vadd.s32 v23, v46;
	v24 =	vld.idx.msk [tilespmem:v24+s19+$0x0], $0xffff  }
0x1f8: {  	v25 =	vor.u32 v22, v47;
	_ =	sdelay $0x3  }
0x1f9: {  	v48 =	vadd.s32 v11, v21;
	[tilespmem:s28+$0x1D380] =	vst v24  }
0x1fa: {  	v49 =	vadd.s32 v23, v48;
	v25 =	vld.idx.msk [tilespmem:v25+s19+$0x0], $0xffff  }
0x1fb: {  	v24 =	vor.u32 v22, v49;
	_ =	sdelay $0x2  }
0x1fc: {  	s18 =	sadd.s32 $0x1D380, s28  }
0x1fd: {  	v50 =	vadd.s32 v10, v21;
	[tilespmem:s18+$0x10] =	vst v25  }
0x1fe: {  	v51 =	vadd.s32 v23, v50;
	v24 =	vld.idx.msk [tilespmem:v24+s19+$0x0], $0xffff  }
0x1ff: {  	v25 =	vor.u32 v22, v51;
	_ =	sdelay $0x3  }
0x200: {  	v52 =	vadd.s32 v9, v21;
	[tilespmem:s18+$0x20] =	vst v24  }
0x201: {  	v53 =	vadd.s32 v23, v52;
	v25 =	vld.idx.msk [tilespmem:v25+s19+$0x0], $0xffff  }
0x202: {  	v24 =	vor.u32 v22, v53;
	_ =	sdelay $0x3  }
0x203: {  	v54 =	vadd.s32 v8, v21;
	[tilespmem:s18+$0x30] =	vst v25  }
0x204: {  	v55 =	vadd.s32 v23, v54;
	v24 =	vld.idx.msk [tilespmem:v24+s19+$0x0], $0xffff  }
0x205: {  	v25 =	vor.u32 v22, v55;
	_ =	sdelay $0x3  }
0x206: {  	v56 =	vadd.s32 v7, v21;
	[tilespmem:s18+$0x40] =	vst v24  }
0x207: {  	v57 =	vadd.s32 v23, v56;
	v25 =	vld.idx.msk [tilespmem:v25+s19+$0x0], $0xffff  }
0x208: {  	v24 =	vor.u32 v22, v57;
	_ =	sdelay $0x3  }
0x209: {  	v58 =	vadd.s32 v6, v21;
	[tilespmem:s18+$0x50] =	vst v25  }
0x20a: {  	v59 =	vadd.s32 v23, v58;
	v24 =	vld.idx.msk [tilespmem:v24+s19+$0x0], $0xffff  }
0x20b: {  	v25 =	vor.u32 v22, v59;
	_ =	sdelay $0x3  }
0x20c: {  	v60 =	vadd.s32 v5, v21;
	[tilespmem:s18+$0x60] =	vst v24  }
0x20d: {  	v61 =	vadd.s32 v23, v60;
	v25 =	vld.idx.msk [tilespmem:v25+s19+$0x0], $0xffff  }
0x20e: {  	v24 =	vor.u32 v22, v61;
	_ =	sdelay $0x3  }
0x20f: {  	v62 =	vadd.s32 v4, v21;
	[tilespmem:s18+$0x70] =	vst v25  }
0x210: {  	v63 =	vadd.s32 v23, v62;
	v24 =	vld.idx.msk [tilespmem:v24+s19+$0x0], $0xffff  }
0x211: {  	v25 =	vor.u32 v22, v63;
	_ =	sdelay $0x3  }
0x212: {  	v21 =	vadd.s32 v3, v21;
	[tilespmem:s28+$0x1D780] =	vst v24  }
0x213: {  	v21 =	vadd.s32 v23, v21;
	v23 =	vld.idx.msk [tilespmem:v25+s19+$0x0], $0xffff  }
0x214: {  	v21 =	vor.u32 v22, v21;
	_ =	sdelay $0x2  }
0x215: {  	s31 =	sadd.s32 $0x1D780, s28  }
0x216: {  	[tilespmem:s31+$0x10] =	vst v23  }
0x217: {  	v21 =	vld.idx.msk [tilespmem:v21+s19+$0x0], $0xffff;
	_ =	sdelay $0x4  }
0x218: {  	p1 =	sne.s32 s26, $0xF;
	s3 =	simm.s32 $0x2F1;
	[tilespmem:s31+$0x20] =	vst v21  }
0x219: {  	v21 =	vld @!p1 [tilespmem:s3+$0x0];
	_ =	sdelay $0x4  }
0x21a: {  	v22 =	vshrl.u32 @!p1 v21, $0x3  }
0x21b: {  	v22 =	vmul.u32 @!p1 $0x18, v22  }
0x21c: {  	v23 =	vlaneseq.u32 @!p1;
	v24 =	vand.u32 @!p1 $0x7, v21  }
0x21d: {  	v25 =	vand.u32 @!p1 $0x7, v23;
	v26 =	vshrl.u32 @!p1 v23, $0x3;
	v22 =	vor.u32 @!p1 v24, v22  }
0x21e: {  	v24 =	vperm.xlane @!p1 v22, v25;
	v25 =	vmul.u32 @!p1 $0x8, v26;
	_ =	sdelay $0x1  }
0x21f: {  	v24 =	vadd.s32 @!p1 v25, v24  }
0x220: {  	v23 =	vor.u32 @!p1 $0x8, v23  }
0x221: {  	s0 =	sand.u32 @!p1 $0x3E00, s23;
	v22 =	vperm.xlane @!p1 v22, v23  }
0x222: {  	s0 =	sshrl.u32 @!p1 s0, $0x2  }
0x223: {  	vm0 =	vmmov @!p1 $0xffff;
	s3 =	simm.s32 @!p1 $0x1CF80;
	[tilespmem:s0+$0x1E780] =	vst @!p1 v21;
	s0 =	simm.s32 @!p1 $0x0;
	v21 =	vadd.s32 @!p1 v25, v22  }
0x224: {  	[hbm4b:s6+s0] =	stream.indirect_vreg.scatter @!p1 [tilespmem:s3], [sflag:$0x2], $0x80, v24, vm0, $0xb8;
	[tilespmem:$0x1F780] =	vst v63  }
0x225: {  	vm1 =	vmmov @!p1 $0xff;
	s3 =	simm.s32 @!p1 $0x1D780  }
0x226: {  	[hbm4b:s12+s0] =	stream.indirect_vreg.scatter @!p1 [tilespmem:s3], [sflag:$0x2], $0x80, v24, vm1, $0xb8;
	[tilespmem:$0x1F780] =	vst v63  }
0x227: {  	s3 =	simm.s32 @!p1 $0x1DB80  }
0x228: {  	[hbm4b:s6+s0] =	stream.indirect_vreg.scatter @!p1 [tilespmem:s3], [sflag:$0x2], $0x80, v21, vm0, $0xb8;
	[tilespmem:$0x1F780] =	vst v63  }
0x229: {  	s30 =	simm.s32 @!p1 $0x2;
	s3 =	simm.s32 @!p1 $0x1E380  }
0x22a: {  	[hbm4b:s12+s0] =	stream.indirect_vreg.scatter @!p1 [tilespmem:s3], [sflag:$0x2], $0x80, v21, vm1, $0xb8;
	[tilespmem:$0x1F780] =	vst v63  }
0x22b: {  	s29 =	simm.s32 $0x20;
	_ =	swait.ge @!p1 [sflag:s30], $0x1800  }
0x22c: {  	s26 =	simm.s32 $0x1;
	s28 =	simm.s32 $0x2F2;
	[sflag:s30] =	ssyncset.done @!p1 $0x0  }
.LBB2_8:
0x22d: {  	[sflag:s30] =	ssyncadd.s32 @!p1 $0xFFFFE800;
	s23 =	sadd.s32 $0x80, s23  }
0x22e: {  	s30 =	smov.u32 s26;
	s26 =	sadd.s32 $0x1, s26;
	s0 =	smov.u32 s25  }
0x22f: {  	s3 =	sand.u32 $0x1FF, s30;
	p0 =	sne.s32 s26, $0x200  }
0x230: {  	v21 =	vld [tilespmem:s3+$0x80];
	_ =	sdelay $0x4  }
0x231: {  	(v2sf) =	vpush v21, $0x0;
	_ =	sdelay $0xe  }
0x232: {  	s3 =	spop (v2sf)  }
0x233: {  	s17 =	sshra.s32 s3, $0x1F;
	s18 =	sand.u32 $0x7F, s3  }
0x234: {  	p1 =	slt.s32 s3, $0x1;
	s17 =	sshrl.u32 s17, $0x19;
	p2 =	sne.s32 s18, $0x0  }
0x235: {  	s17 =	sadd.s32 s17, s3;
	p1 =	por !p1, !p2  }
0x236: {  	s18 =	simm.s32 $0x1;
	p1 =	por !p1, !p1  }
0x237: {  	s17 =	sshrl.u32 s17, $0x7;
	s18 =	simm.s32 @!p1 $0x0  }
0x238: {  	s17 =	ssub.s32 s17, s18  }
0x239: {  	s25 =	sshll.u32 s17, $0x7  }
0x23a: {  	p1 =	slt.s32 s25, $0xF41C0  }
0x23b: {  	s25 =	simm.s32 @!p1 $0xF41C0  }
0x23c: {  	s17 =	simm.s32 $0x1;
	p1 =	sne.s32 s25, s0;
	s3 =	ssub.s32 s3, s25  }
0x23d: {  	s17 =	simm.s32 @!p1 $0x0;
	v21 =	vmov s3  }
0x23e: {  	p1 =	seq.s32 s25, s0;
	s24 =	sadd.s32 s17, s24  }
0x23f: {  	s0 =	sadd.s32 @!p1 $0x2, s24;
	s3 =	smulhi.u32 $0x55555556, s24;
	s17 =	sshra.s32 s24, $0x1F  }
0x240: {  	p3 =	sge.s32 @!p1 s0, s22;
	s17 =	smul.u32 $0x55555556, s17  }
0x241: {  	p2 =	por p3, p1  }
0x242: {  	v22 =	vld @!p2 [tilespmem:s0+$0x500];
	s18 =	smulhi.u32 @!p2 $0x55555556, s0;
	s31 =	sshra.s32 @!p2 s0, $0x1F;
	s3 =	sadd.s32 s17, s3  }
0x243: {  	s17 =	smul.u32 @!p2 $0x55555556, s31;
	s31 =	sshrl.u32 s3, $0x1F  }
0x244: {  	s3 =	sadd.s32 s31, s3  }
0x245: {  	s17 =	sadd.s32 @!p2 s17, s18;
	s3 =	smul.u32 $0x3, s3  }
0x246: {  	s18 =	sshrl.u32 @!p2 s17, $0x1F  }
0x247: {  	s17 =	sadd.s32 @!p2 s18, s17;
	s3 =	ssub.s32 s24, s3;
	(v2sf) =	vpush @!p2 v22, $0x0  }
0x248: {  	s17 =	smul.u32 @!p2 $0x3, s17;
	p4 =	slt.s32 s3, $0x0;
	s18 =	sadd.s32 $0x3, s3  }
0x249: {  	s3 =	smov.u32 @p4 s18  }
0x24a: {  	s0 =	ssub.s32 @!p2 s0, s17;
	s3 =	smul.u32 $0x130, s3  }
0x24b: {  	p4 =	slt.s32 @!p2 s0, $0x0;
	s17 =	sadd.s32 @!p2 $0x3, s0  }
0x24c: {  	p3 =	por @!p1 !p4, p3;
	v22 =	vmov s3  }
0x24d: {  	v32 =	vand.u32 $0xFFFFFF80, v21;
	p3 =	por !p3, p1;
	v22 =	vshll.u32 v22, $0x7  }
0x24e: {  	s0 =	smov.u32 @p3 s17;
	v23 =	vor.u32 v1, v22;
	v24 =	vadd.s32 v20, v22;
	v25 =	vadd.s32 v19, v22  }
0x24f: {  	s0 =	smul.u32 @!p2 $0x26000, s0;
	v23 =	vadd.s32 v32, v23;
	v33 =	vadd.s32 v32, v24;
	v34 =	vadd.s32 v32, v25  }
0x250: {  	v26 =	vadd.s32 v16, v22;
	v24 =	vadd.s32 v18, v22;
	v25 =	vadd.s32 v17, v22  }
0x251: {  	v37 =	vadd.s32 v32, v26;
	v35 =	vadd.s32 v32, v24;
	v36 =	vadd.s32 v32, v25;
	s0 =	sshra.s32 @!p2 s0, $0x2  }
0x252: {  	v26 =	vadd.s32 v13, v22;
	v24 =	vadd.s32 v15, v22;
	v25 =	vadd.s32 v14, v22;
	s3 =	sor.u32 @!p2 $0x780, s0;
	s0 =	sadd.s32 @!p2 $0x9B80, s0  }
0x253: {  	v40 =	vadd.s32 v32, v26;
	v38 =	vadd.s32 v32, v24;
	v39 =	vadd.s32 v32, v25  }
0x254: {  	v26 =	vadd.s32 v10, v22;
	v24 =	vadd.s32 v12, v22;
	v25 =	vadd.s32 v11, v22  }
0x255: {  	v29 =	vadd.s32 v32, v26;
	v31 =	vadd.s32 v32, v24;
	v30 =	vadd.s32 v32, v25  }
0x256: {  	v26 =	vadd.s32 v7, v22;
	v24 =	vadd.s32 v9, v22;
	v25 =	vadd.s32 v8, v22;
	s17 =	spop @!p2 (v2sf)  }
0x257: {  	v28 =	vadd.s32 v32, v24;
	v27 =	vadd.s32 v32, v25;
	v25 =	vadd.s32 v32, v26;
	s17 =	sand.u32 @!p2 $0xFFFFF80, s17  }
0x258: {  	s31 =	simm.s32 @!p2 $0x7A1400;
	s18 =	simm.s32 @!p2 $0x400;
	v41 =	vadd.s32 v5, v22;
	v42 =	vadd.s32 v4, v22;
	v24 =	vadd.s32 v6, v22;
	s17 =	sadd.s32 @!p2 s2, s17  }
0x259: {  	v21 =	vand.u32 $0x7F, v21;
	v26 =	vadd.s32 v32, v24;
	v24 =	vadd.s32 v32, v41;
	[tilespmem:s3], [sflag:$0x1] =	stream.strided.gather @!p2 [hbm4b:s17+s18], $0x9400, s31, s18, $0x38;
	[tilespmem:$0x1F780] =	vst v63  }
0x25a: {  	v36 =	vor.u32 v21, v36;
	v41 =	vor.u32 v21, v23;
	v23 =	vadd.s32 v32, v42;
	s3 =	sadd.s32 @!p2 $0x2349C80, s17;
	s17 =	simm.s32 @!p2 $0x0;
	s18 =	simm.s32 @!p1 $0x1  }
0x25b: {  	v22 =	vadd.s32 v3, v22;
	[tilespmem:s0], [sflag:$0x1] =	stream.linear.gather @!p2 [hbm4b:s3+s17], $0x200, $0x38;
	[tilespmem:$0x1F780] =	vst v63  }
0x25c: {  	v22 =	vadd.s32 v32, v22;
	_ =	swait.ge @!p1 [sflag:s18], $0x9600  }
0x25d: {  	[sflag:s18] =	ssyncset.done @!p1 $0x0  }
0x25e: {  	[sflag:s18] =	ssyncadd.s32 @!p1 $0xFFFF6A00  }
0x25f: {  	s30 =	sand.u32 $0xF, s30;
	v32 =	vld.idx.msk [tilespmem:v41+s19+$0x0], $0xffff  }
0x260: {  	s0 =	sshrl.u32 s30, $0x3  }
0x261: {  	v33 =	vor.u32 v21, v33;
	s0 =	smul.u32 $0x3000, s0;
	_ =	sdelay $0x1  }
0x262: {  	s3 =	sand.u32 $0x380, s23;
	s0 =	sshrl.u32 s0, $0x2  }
0x263: {  	s31 =	sor.u32 s3, s0  }
0x264: {  	[tilespmem:s31+$0x1CF80] =	vst v32  }
0x265: {  	v32 =	vld.idx.msk [tilespmem:v33+s19+$0x0], $0xffff;
	_ =	sdelay $0x1  }
0x266: {  	v33 =	vor.u32 v21, v34;
	_ =	sdelay $0x2  }
0x267: {  	s0 =	sadd.s32 $0x1CF80, s31  }
0x268: {  	[tilespmem:s0+$0x10] =	vst v32  }
0x269: {  	v32 =	vld.idx.msk [tilespmem:v33+s19+$0x0], $0xffff;
	_ =	sdelay $0x1  }
0x26a: {  	v33 =	vor.u32 v21, v35;
	_ =	sdelay $0x3  }
0x26b: {  	[tilespmem:s0+$0x20] =	vst v32  }
0x26c: {  	v32 =	vld.idx.msk [tilespmem:v33+s19+$0x0], $0xffff;
	_ =	sdelay $0x5  }
0x26d: {  	[tilespmem:s0+$0x30] =	vst v32  }
0x26e: {  	v32 =	vld.idx.msk [tilespmem:v36+s19+$0x0], $0xffff;
	_ =	sdelay $0x1  }
0x26f: {  	v33 =	vor.u32 v21, v37;
	_ =	sdelay $0x3  }
0x270: {  	[tilespmem:s0+$0x40] =	vst v32  }
0x271: {  	v32 =	vld.idx.msk [tilespmem:v33+s19+$0x0], $0xffff;
	_ =	sdelay $0x1  }
0x272: {  	v33 =	vor.u32 v21, v38;
	_ =	sdelay $0x3  }
0x273: {  	[tilespmem:s0+$0x50] =	vst v32  }
0x274: {  	v32 =	vld.idx.msk [tilespmem:v33+s19+$0x0], $0xffff;
	_ =	sdelay $0x1  }
0x275: {  	v33 =	vor.u32 v21, v39;
	_ =	sdelay $0x3  }
0x276: {  	[tilespmem:s0+$0x60] =	vst v32  }
0x277: {  	v32 =	vld.idx.msk [tilespmem:v33+s19+$0x0], $0xffff;
	_ =	sdelay $0x1  }
0x278: {  	v33 =	vor.u32 v21, v40;
	_ =	sdelay $0x3  }
0x279: {  	[tilespmem:s0+$0x70] =	vst v32  }
0x27a: {  	v32 =	vld.idx.msk [tilespmem:v33+s19+$0x0], $0xffff;
	_ =	sdelay $0x1  }
0x27b: {  	v31 =	vor.u32 v21, v31;
	_ =	sdelay $0x3  }
0x27c: {  	[tilespmem:s31+$0x1D380] =	vst v32  }
0x27d: {  	v31 =	vld.idx.msk [tilespmem:v31+s19+$0x0], $0xffff;
	_ =	sdelay $0x1  }
0x27e: {  	v30 =	vor.u32 v21, v30;
	_ =	sdelay $0x2  }
0x27f: {  	s0 =	sadd.s32 $0x1D380, s31  }
0x280: {  	[tilespmem:s0+$0x10] =	vst v31  }
0x281: {  	v30 =	vld.idx.msk [tilespmem:v30+s19+$0x0], $0xffff;
	_ =	sdelay $0x1  }
0x282: {  	v29 =	vor.u32 v21, v29;
	_ =	sdelay $0x3  }
0x283: {  	[tilespmem:s0+$0x20] =	vst v30  }
0x284: {  	v29 =	vld.idx.msk [tilespmem:v29+s19+$0x0], $0xffff;
	_ =	sdelay $0x1  }
0x285: {  	v28 =	vor.u32 v21, v28;
	_ =	sdelay $0x3  }
0x286: {  	[tilespmem:s0+$0x30] =	vst v29  }
0x287: {  	v28 =	vld.idx.msk [tilespmem:v28+s19+$0x0], $0xffff;
	_ =	sdelay $0x1  }
0x288: {  	v27 =	vor.u32 v21, v27;
	_ =	sdelay $0x3  }
0x289: {  	[tilespmem:s0+$0x40] =	vst v28  }
0x28a: {  	v27 =	vld.idx.msk [tilespmem:v27+s19+$0x0], $0xffff;
	_ =	sdelay $0x1  }
0x28b: {  	v25 =	vor.u32 v21, v25;
	_ =	sdelay $0x3  }
0x28c: {  	[tilespmem:s0+$0x50] =	vst v27  }
0x28d: {  	v25 =	vld.idx.msk [tilespmem:v25+s19+$0x0], $0xffff;
	_ =	sdelay $0x1  }
0x28e: {  	v26 =	vor.u32 v21, v26;
	_ =	sdelay $0x3  }
0x28f: {  	[tilespmem:s0+$0x60] =	vst v25  }
0x290: {  	v25 =	vld.idx.msk [tilespmem:v26+s19+$0x0], $0xffff;
	_ =	sdelay $0x1  }
0x291: {  	v24 =	vor.u32 v21, v24;
	_ =	sdelay $0x3  }
0x292: {  	[tilespmem:s0+$0x70] =	vst v25  }
0x293: {  	v24 =	vld.idx.msk [tilespmem:v24+s19+$0x0], $0xffff;
	_ =	sdelay $0x1  }
0x294: {  	v23 =	vor.u32 v21, v23;
	_ =	sdelay $0x3  }
0x295: {  	[tilespmem:s31+$0x1D780] =	vst v24  }
0x296: {  	v23 =	vld.idx.msk [tilespmem:v23+s19+$0x0], $0xffff;
	_ =	sdelay $0x1  }
0x297: {  	v21 =	vor.u32 v21, v22;
	_ =	sdelay $0x2  }
0x298: {  	s0 =	sadd.s32 $0x1D780, s31  }
0x299: {  	[tilespmem:s0+$0x10] =	vst v23  }
0x29a: {  	v21 =	vld.idx.msk [tilespmem:v21+s19+$0x0], $0xffff;
	_ =	sdelay $0x5  }
0x29b: {  	p1 =	sne.s32 s30, $0xF;
	[tilespmem:s0+$0x20] =	vst v21  }
0x29c: {  	v22 =	vlaneseq.u32 @!p1;
	s0 =	sand.u32 @!p1 $0x3E00, s29;
	v21 =	vld @!p1 [tilespmem:s28+$0x0]  }
0x29d: {  	v24 =	vshrl.u32 @!p1 v22, $0x3;
	v23 =	vand.u32 @!p1 $0x7, v22;
	v22 =	vor.u32 @!p1 $0x8, v22;
	s0 =	sshrl.u32 @!p1 s0, $0x2;
	_ =	sdelay $0x3  }
0x29e: {  	[tilespmem:s0+$0x1E780] =	vst @!p1 v21;
	v25 =	vshrl.u32 @!p1 v21, $0x3  }
0x29f: {  	v25 =	vmul.u32 @!p1 $0x18, v25  }
0x2a0: {  	v21 =	vand.u32 @!p1 $0x7, v21  }
0x2a1: {  	v21 =	vor.u32 @!p1 v21, v25  }
0x2a2: {  	v24 =	vmul.u32 @!p1 $0x8, v24;
	v23 =	vperm.xlane @!p1 v21, v23;
	v21 =	vperm.xlane @!p1 v21, v22;
	_ =	sdelay $0x1  }
0x2a3: {  	v22 =	vadd.s32 @!p1 v24, v23;
	_ =	sdelay $0x3  }
0x2a4: {  	vm0 =	vmmov @!p1 $0xffff;
	s3 =	simm.s32 @!p1 $0x1CF80;
	s0 =	simm.s32 @!p1 $0x0;
	v21 =	vadd.s32 @!p1 v24, v21  }
0x2a5: {  	[hbm4b:s6+s0] =	stream.indirect_vreg.scatter @!p1 [tilespmem:s3], [sflag:$0x2], $0x80, v22, vm0, $0xb8;
	[tilespmem:$0x1F780] =	vst v63  }
0x2a6: {  	vm1 =	vmmov @!p1 $0xff;
	s3 =	simm.s32 @!p1 $0x1D780  }
0x2a7: {  	[hbm4b:s12+s0] =	stream.indirect_vreg.scatter @!p1 [tilespmem:s3], [sflag:$0x2], $0x80, v22, vm1, $0xb8;
	[tilespmem:$0x1F780] =	vst v63  }
0x2a8: {  	s3 =	simm.s32 @!p1 $0x1DB80  }
0x2a9: {  	[hbm4b:s6+s0] =	stream.indirect_vreg.scatter @!p1 [tilespmem:s3], [sflag:$0x2], $0x80, v21, vm0, $0xb8;
	[tilespmem:$0x1F780] =	vst v63  }
.Ltmp3:
0x2aa: {  	_ = 	snop;
	(pc) =	sbr.rel @p0 .LBB2_8-.Ltmp3, $4  }
0x2ab: {  	s30 =	simm.s32 @!p1 $0x2;
	s3 =	simm.s32 @!p1 $0x1E380  }
0x2ac: {  	[hbm4b:s12+s0] =	stream.indirect_vreg.scatter @!p1 [tilespmem:s3], [sflag:$0x2], $0x80, v21, vm1, $0xb8;
	[tilespmem:$0x1F780] =	vst v63  }
0x2ad: {  	_ =	swait.ge @!p1 [sflag:s30], $0x1800  }
0x2ae: {  	s29 =	sadd.s32 $0x20, s29;
	s28 =	sadd.s32 $0x1, s28;
	[sflag:s30] =	ssyncset.done @!p1 $0x0  }
0x2af: {  	s21 =	sadd.s32 $0x1, s21  }
0x2b0: {  	p0 =	sne.s32 s21, s13  }
.Ltmp4:
0x2b1: {  	_ = 	snop;
	(pc) =	sbr.rel @p0 .LBB2_1-.Ltmp4, $2  }
0x2b2: {  	_ =	sdelay $0x2  }
0x2b3: {  	[sflag:s30] =	ssyncadd.s32 @!p1 $0xFFFFE800  }
0x2b4: {  	_ =	sfence.sel $0x180000  }
0x2b5: {  	[bflag:$0x0] =	sbarrier.arrive $0xFFFF  }
0x2b6: {  	_ =	strace $0x90000047  }
0x2b7: {  	s0 =	stileid.u32;
	[bflag:$0x2] =	sbarrier.arrive $0xFFFF  }
0x2b8: {  	p0 =	sne.s32 s0, $0x0;
	s0 =	rddreg [dreg:$0x3]  }
0x2b9: {  	s0 =	sadd.s32 @!p0 $0x100000, s0  }
0x2ba: {  	[sflag:s0] =	ssyncadd.tile.s32 @!p0 $0x1;
	_ =	shalt  }
.Lfunc_end2:
_tile_overlayer_lowered:
.L_overlay_start_2:
0x2bb: {  	(tag) =	ssettag $0x2  }
0x2bc: {  	s0 =	rddreg [dreg:$0x0];
	s2 =	stileid.u32  }
0x2bd: {  	s1 =	rddreg [dreg:$0x1];
	p0 =	sne.s32 s2, $0x0  }
0x2be: {  	s3 =	rddreg [dreg:$0x2];
	[bflag:$0x3] =	sbarrier.arrive $0xFFFF;
	s2 =	simm.s32 @!p0 $0x1C03  }
0x2bf: {  	[timem:s3], [sflag:s2] =	dma.local @!p0 [hbm:s0], s1  }
0x2c0: {  	s0 =	simm.s32 @!p0 $0x3  }
0x2c1: {  	_ =	swait.ge @!p0 [sflag:s0], s1  }
0x2c2: {  	s1 =	ssub.s32 @!p0 $0x0, s1;
	[sflag:s0] =	ssyncset.done @!p0 $0x0  }
0x2c3: {  	[sflag:s0] =	ssyncadd.s32 @!p0 s1  }
0x2c4: {  	[bflag:$0x3] =	sbarrier.arrive $0xFFFF  }
0x2c5: {  	_ =	shalt  }

</sc_bundles>
